<compile_context>
chip_gen: v7x
topology: tpu7x:2x2x1
jax: 0.10.2.dev20260603
libtpu: 0.0.44.dev20260713+nightly
codegen_flags: <defaults>
</compile_context>

<pallas_src>
import functools

import jax
import jax.numpy as jnp
from jax import lax
from jax.experimental import pallas as pl
from jax.experimental.pallas import tpu as pltpu
from jax.experimental.pallas import tpu_sc as plsc

NC = 2
NS = 16
NW = NC * NS
DW = 16


def _mesh():
    return plsc.VectorSubcoreMesh(core_axis_name="c", subcore_axis_name="s")


_SC_PARAMS = pltpu.CompilerParams(use_tc_tiling_on_sc=False)


def _sc_degree(dst3, ones, zeros):
    _, NCHUNK, K = dst3.shape
    NP = zeros.shape[0]
    RPT = NP // NS
    NB = 10
    assert NCHUNK % NB == 0

    @functools.partial(
        pl.kernel,
        out_type=jax.ShapeDtypeStruct((NC, NP, DW), jnp.float32),
        mesh=_mesh(),
        compiler_params=_SC_PARAMS,
        scratch_types=[
            pltpu.VMEM((NCHUNK, K), jnp.int32),
            pltpu.VMEM((K, DW), jnp.float32),
            pltpu.VMEM_SHARED((NP, DW), jnp.float32),
            pltpu.SemaphoreType.DMA,
        ],
    )
    def degk(dst_hbm, ones_hbm, zeros_hbm, out_hbm, dst_v, ones_v, acc, sem):
        c = lax.axis_index("c")
        s = lax.axis_index("s")
        w = c * NS + s
        pltpu.sync_copy(dst_hbm.at[w], dst_v)
        pltpu.sync_copy(ones_hbm, ones_v)
        pltpu.sync_copy(zeros_hbm.at[pl.ds(s * RPT, RPT)],
                        acc.at[pl.ds(s * RPT, RPT)])
        plsc.subcore_barrier()

        def outer(i, carry):
            for b in range(NB):
                pltpu.sync_copy(ones_v, acc.at[dst_v.at[i * NB + b]], add=True)
            return carry

        lax.fori_loop(0, NCHUNK // NB, outer, 0)
        plsc.subcore_barrier()
        pltpu.sync_copy(acc.at[pl.ds(s * RPT, RPT)],
                        out_hbm.at[c, pl.ds(s * RPT, RPT)])

    return degk(dst3, ones, zeros)


def _sc_aggregate(feat, src3, dst3, zeros):
    N, PD = feat.shape
    NP = zeros.shape[0]
    _, NCHUNK, K = src3.shape
    RPT = NP // NS
    assert NCHUNK % 2 == 0 and NCHUNK >= 4

    @functools.partial(
        pl.kernel,
        out_type=jax.ShapeDtypeStruct((NC, NP, PD), jnp.float32),
        mesh=_mesh(),
        compiler_params=_SC_PARAMS,
        scratch_types=[
            pltpu.VMEM((NCHUNK, K), jnp.int32),
            pltpu.VMEM((NCHUNK, K), jnp.int32),
            pltpu.VMEM((K, PD), jnp.float32),
            pltpu.VMEM((K, PD), jnp.float32),
            pltpu.VMEM_SHARED((NP, PD), jnp.float32),
            pltpu.SemaphoreType.DMA,
            pltpu.SemaphoreType.DMA,
        ],
    )
    def aggk(feat_hbm, src_hbm, dst_hbm, zeros_hbm, out_hbm,
             src_v, dst_v, buf0, buf1, acc, sem0, sem1):
        c = lax.axis_index("c")
        s = lax.axis_index("s")
        w = c * NS + s
        rows = pl.ds(s * RPT, RPT)
        pltpu.sync_copy(src_hbm.at[w], src_v)
        pltpu.sync_copy(dst_hbm.at[w], dst_v)
        pltpu.sync_copy(zeros_hbm.at[rows], acc.at[rows])
        feat_src = feat_hbm
        plsc.subcore_barrier()

        pltpu.async_copy(feat_src.at[src_v.at[0]], buf0, sem0)
        pltpu.async_copy(feat_src.at[src_v.at[1]], buf1, sem1)

        def body(i, carry):
            j = 2 * i
            pltpu.make_async_copy(feat_src.at[src_v.at[0]], buf0, sem0).wait()
            pltpu.sync_copy(buf0, acc.at[dst_v.at[j]], add=True)
            pltpu.async_copy(feat_src.at[src_v.at[j + 2]], buf0, sem0)
            pltpu.make_async_copy(feat_src.at[src_v.at[1]], buf1, sem1).wait()
            pltpu.sync_copy(buf1, acc.at[dst_v.at[j + 1]], add=True)
            pltpu.async_copy(feat_src.at[src_v.at[j + 3]], buf1, sem1)
            return carry

        lax.fori_loop(0, NCHUNK // 2 - 1, body, 0)
        pltpu.make_async_copy(feat_src.at[src_v.at[0]], buf0, sem0).wait()
        pltpu.sync_copy(buf0, acc.at[dst_v.at[NCHUNK - 2]], add=True)
        pltpu.make_async_copy(feat_src.at[src_v.at[1]], buf1, sem1).wait()
        pltpu.sync_copy(buf1, acc.at[dst_v.at[NCHUNK - 1]], add=True)

        plsc.subcore_barrier()
        pltpu.sync_copy(acc.at[rows], out_hbm.at[c, rows])

    return aggk(feat, src3, dst3, zeros)


def _tc_matmul1(x, W1, block):
    N, Din = x.shape
    Dh = W1.shape[1]
    grid = N // block

    def body(x_ref, w_ref, h_ref):
        h_ref[...] = jnp.dot(x_ref[...], w_ref[...],
                             preferred_element_type=jnp.float32)

    return pl.pallas_call(
        body,
        grid=(grid,),
        in_specs=[
            pl.BlockSpec((block, Din), lambda i: (i, 0)),
            pl.BlockSpec((Din, Dh), lambda i: (0, 0)),
        ],
        out_specs=pl.BlockSpec((block, Dh), lambda i: (i, 0)),
        out_shape=jax.ShapeDtypeStruct((N, Dh), jnp.float32),
    )(x, W1)


def _tc_layer1(H, b1, degp, block):
    N, Dh = H.shape
    grid = N // block

    def body(h_ref, b_ref, deg_ref, hs_ref, s1_ref, dinv_ref):
        d = deg_ref[...]
        deg = d[0, :, 0:1] + d[1, :, 0:1] + 1.0
        dinv = lax.rsqrt(deg)
        H = h_ref[...]
        hs_ref[...] = H * dinv
        s1_ref[...] = b_ref[...] + H * (dinv * dinv)
        dinv_ref[...] = dinv

    return pl.pallas_call(
        body,
        grid=(grid,),
        in_specs=[
            pl.BlockSpec((block, Dh), lambda i: (i, 0)),
            pl.BlockSpec((1, Dh), lambda i: (0, 0)),
            pl.BlockSpec((NC, block, DW), lambda i: (0, i, 0)),
        ],
        out_specs=[
            pl.BlockSpec((block, Dh), lambda i: (i, 0)),
            pl.BlockSpec((block, Dh), lambda i: (i, 0)),
            pl.BlockSpec((block, 1), lambda i: (i, 0)),
        ],
        out_shape=[
            jax.ShapeDtypeStruct((N, Dh), jnp.float32),
            jax.ShapeDtypeStruct((N, Dh), jnp.float32),
            jax.ShapeDtypeStruct((N, 1), jnp.float32),
        ],
    )(H, b1, degp)


def _tc_layer2(U, dinv, S1, W2, b2, block):
    N, Dh = S1.shape
    Do = W2.shape[1]
    grid = N // block

    def body(u_ref, dinv_ref, s1_ref, w_ref, b_ref, gs_ref, s2_ref):
        u = u_ref[...]
        dinv = dinv_ref[...]
        h = jnp.maximum((u[0] + u[1]) * dinv + s1_ref[...], 0.0)
        G = jnp.dot(h, w_ref[...], preferred_element_type=jnp.float32)
        gs_ref[...] = G * dinv
        s2_ref[...] = b_ref[...] + G * (dinv * dinv)

    return pl.pallas_call(
        body,
        grid=(grid,),
        in_specs=[
            pl.BlockSpec((NC, block, Dh), lambda i: (0, i, 0)),
            pl.BlockSpec((block, 1), lambda i: (i, 0)),
            pl.BlockSpec((block, Dh), lambda i: (i, 0)),
            pl.BlockSpec((Dh, Do), lambda i: (0, 0)),
            pl.BlockSpec((1, Do), lambda i: (0, 0)),
        ],
        out_specs=[
            pl.BlockSpec((block, Do), lambda i: (i, 0)),
            pl.BlockSpec((block, Do), lambda i: (i, 0)),
        ],
        out_shape=[
            jax.ShapeDtypeStruct((N, Do), jnp.float32),
            jax.ShapeDtypeStruct((N, Do), jnp.float32),
        ],
    )(U, dinv, S1, W2, b2)


def _tc_finish(V, dinv, S2, block):
    N, Do = S2.shape
    grid = N // block

    def body(v_ref, dinv_ref, s2_ref, z_ref):
        v = v_ref[...]
        z_ref[...] = (v[0] + v[1]) * dinv_ref[...] + s2_ref[...]

    return pl.pallas_call(
        body,
        grid=(grid,),
        in_specs=[
            pl.BlockSpec((NC, block, Do), lambda i: (0, i, 0)),
            pl.BlockSpec((block, 1), lambda i: (i, 0)),
            pl.BlockSpec((block, Do), lambda i: (i, 0)),
        ],
        out_specs=pl.BlockSpec((block, Do), lambda i: (i, 0)),
        out_shape=jax.ShapeDtypeStruct((N, Do), jnp.float32),
    )(V, dinv, S2)


def kernel(x, edge_index, W1, b1, W2, b2, W3, b3):
    del W3, b3
    N, Din = x.shape
    E = edge_index.shape[1]
    Dh = W1.shape[1]
    Do = W2.shape[1]
    assert E % NW == 0 and N % NS == 0
    EPW = E // NW
    K = 100
    assert EPW % K == 0
    NCHUNK = EPW // K

    ei = edge_index.astype(jnp.int32)
    src3 = ei[0].reshape(NW, NCHUNK, K)
    dst3 = ei[1].reshape(NW, NCHUNK, K)
    NP = ((N + 8 * NS - 1) // (8 * NS)) * (8 * NS)
    ones = jnp.ones((K, DW), jnp.float32)
    zeros_h = jnp.zeros((NP, Dh), jnp.float32)
    zeros_o = jnp.zeros((NP, Do), jnp.float32)
    zeros_d = jnp.zeros((NP, DW), jnp.float32)

    block = 5000
    degp = _sc_degree(dst3, ones, zeros_d)
    H = _tc_matmul1(x, W1, block)
    Hs, S1, dinv = _tc_layer1(H, b1.reshape(1, Dh), degp, block)
    U = _sc_aggregate(Hs, src3, dst3, zeros_h)
    Gs, S2 = _tc_layer2(U, dinv, S1, W2, b2.reshape(1, Do), block)
    V = _sc_aggregate(Gs, src3, dst3, zeros_o)
    return _tc_finish(V, dinv, S2, block)

# --- scband reference (transcript-rebuilt; emitter-appended) ---
"""Pipeline reference for scband-variational-gcnencoder-86981677679217 (READ-ONLY COPY).

The authoritative reference and input builder live on the scoring server;
editing this copy changes nothing except your own understanding.
"""

import jax, jax.numpy as jnp
import numpy as np

N = 10000
E = 320000
D_IN = 128
D_OUT = 64
D_HID = 2 * D_OUT  # 128
MAX_LOGSTD = 10.0


def setup_inputs(seed: int = 0) -> dict:
    key = jax.random.key(seed)
    ks = jax.random.split(key, 8)
    x = jax.random.normal(ks[0], (N, D_IN), dtype=jnp.float32)
    edge_index = jax.random.randint(ks[1], (2, E), 0, N, dtype=jnp.int64)
    W1 = jax.random.normal(ks[2], (D_IN, D_HID), dtype=jnp.float32) * (1.0 / np.sqrt(D_IN))
    b1 = jnp.zeros((D_HID,), dtype=jnp.float32)
    W2 = jax.random.normal(ks[3], (D_HID, D_OUT), dtype=jnp.float32) * (1.0 / np.sqrt(D_HID))
    b2 = jnp.zeros((D_OUT,), dtype=jnp.float32)
    W3 = jax.random.normal(ks[4], (D_HID, D_OUT), dtype=jnp.float32) * (1.0 / np.sqrt(D_HID))
    b3 = jnp.zeros((D_OUT,), dtype=jnp.float32)
    return {"x": x, "edge_index": edge_index, "W1": W1, "b1": b1, "W2": W2, "b2": b2, "W3": W3, "b3": b3}


def gcn_conv(x, edge_index, W, b, n):
    # PyG GCNConv: linear transform, add self-loops, symmetric deg normalization, scatter-add, bias
    h = x @ W
    loops = jnp.arange(n, dtype=edge_index.dtype)
    src = jnp.concatenate([edge_index[0], loops])
    dst = jnp.concatenate([edge_index[1], loops])
    ones = jnp.ones(src.shape[0], dtype=h.dtype)
    deg = jnp.zeros((n,), dtype=h.dtype).at[dst].add(ones)
    dinv = jnp.where(deg > 0, deg ** -0.5, 0.0)
    norm = dinv[src] * dinv[dst]
    msg = h[src] * norm[:, None]
    out = jnp.zeros((n, h.shape[1]), dtype=h.dtype).at[dst].add(msg)
    return out + b


def reference(x, edge_index, W1, b1, W2, b2, W3, b3):
    h = jax.nn.relu(gcn_conv(x, edge_index, W1, b1, N))
    mu = gcn_conv(h, edge_index, W2, b2, N)
    logstd = jnp.minimum(gcn_conv(h, edge_index, W3, b3, N), MAX_LOGSTD)
    # eval mode: reparametrize returns mu (deterministic)
    z = mu
    return z

if __name__ == "__main__":
    import jax
    _d = setup_inputs()
    print(jax.jit(kernel)(*tuple(_d.values())))

</pallas_src>

<mosaic_0001>
#map = affine_map<(d0, d1) -> (0, 0)>
#map1 = affine_map<(d0, d1) -> (0, 0, 0)>
module attributes {stable_mosaic.version = 14 : i64} {
  func.func @aggk(%arg0: i32, %arg1: i32, %arg2: memref<10000x64xf32, #tpu.memory_space<hbm>>, %arg3: memref<32x100x100xi32, #tpu.memory_space<hbm>>, %arg4: memref<32x100x100xi32, #tpu.memory_space<hbm>>, %arg5: memref<10112x64xf32, #tpu.memory_space<hbm>>, %arg6: memref<2x10112x64xf32, #tpu.memory_space<hbm>>, %arg7: memref<100x100xi32, #tpu.memory_space<vmem>>, %arg8: memref<100x100xi32, #tpu.memory_space<vmem>>, %arg9: memref<100x64xf32, #tpu.memory_space<vmem>>, %arg10: memref<100x64xf32, #tpu.memory_space<vmem>>, %arg11: memref<10112x64xf32, #tpu.memory_space<vmem_shared>>, %arg12: memref<!tpu.dma_semaphore, #tpu.memory_space<semaphore_mem>>, %arg13: memref<!tpu.dma_semaphore, #tpu.memory_space<semaphore_mem>>) attributes {dimension_semantics = [#tpu.dimension_semantics<core_parallel>, #tpu.dimension_semantics<subcore_parallel>], iteration_bounds = array<i64: 2, 16>, scalar_prefetch = 0 : i64, scratch_operands = 7 : i64, tpu.core_type = #tpu.core_type<sc_vector_subcore>, window_params = [{transform_indices = #map}, {transform_indices = #map1}, {transform_indices = #map1}, {transform_indices = #map}, {transform_indices = #map1}]} {
    %mul3A = arith.constant 16 : i32
    %mul3A_0 = arith.muli %arg0, %mul3A : i32
    %add3A = arith.addi %mul3A_0, %arg1 : i32
    %mul3A_1 = arith.constant 632 : i32
    %mul3A_2 = arith.muli %arg1, %mul3A_1 : i32
    "tpu.region"() ({
      %run_scoped3A_36 = tpu.sem_alloc : memref<!tpu.dma_semaphore, #tpu.memory_space<semaphore_mem>>
      %dma_start3A_37 = arith.constant 0 : i32
      %dma_start3A_38 = arith.constant 0 : i32
      %dma_start3A_39 = tpu.memref_slice %arg3[%add3A, %dma_start3A_37, %dma_start3A_38] : memref<32x100x100xi32, #tpu.memory_space<hbm>> -> memref<1x100x100xi32, #tpu.memory_space<hbm>>
      %dma_start3A_40 = tpu.memref_squeeze %dma_start3A_39 : memref<1x100x100xi32, #tpu.memory_space<hbm>> -> memref<100x100xi32, #tpu.memory_space<hbm>>
      %dma_start3A_41 = arith.constant 0 : i32
      %dma_start3A_42 = arith.constant 0 : i32
      %dma_start3A_43 = tpu.memref_slice %arg3[%add3A, %dma_start3A_41, %dma_start3A_42] : memref<32x100x100xi32, #tpu.memory_space<hbm>> -> memref<1x100x100xi32, #tpu.memory_space<hbm>>
      %dma_start3A_44 = tpu.memref_squeeze %dma_start3A_43 : memref<1x100x100xi32, #tpu.memory_space<hbm>> -> memref<100x100xi32, #tpu.memory_space<hbm>>
      tpu.enqueue_dma source(%dma_start3A_44 : memref<100x100xi32, #tpu.memory_space<hbm>>) target(%arg7 : memref<100x100xi32, #tpu.memory_space<vmem>>) target_semaphore(%run_scoped3A_36 : memref<!tpu.dma_semaphore, #tpu.memory_space<semaphore_mem>>)
      %dma_wait3A_45 = arith.constant 0 : i32
      %dma_wait3A_46 = arith.constant 0 : i32
      %dma_wait3A_47 = tpu.memref_slice %arg3[%add3A, %dma_wait3A_45, %dma_wait3A_46] : memref<32x100x100xi32, #tpu.memory_space<hbm>> -> memref<1x100x100xi32, #tpu.memory_space<hbm>>
      %dma_wait3A_48 = tpu.memref_squeeze %dma_wait3A_47 : memref<1x100x100xi32, #tpu.memory_space<hbm>> -> memref<100x100xi32, #tpu.memory_space<hbm>>
      %dma_wait3A_49 = arith.constant 0 : i32
      %dma_wait3A_50 = arith.constant 0 : i32
      %dma_wait3A_51 = tpu.memref_slice %arg3[%add3A, %dma_wait3A_49, %dma_wait3A_50] : memref<32x100x100xi32, #tpu.memory_space<hbm>> -> memref<1x100x100xi32, #tpu.memory_space<hbm>>
      %dma_wait3A_52 = tpu.memref_squeeze %dma_wait3A_51 : memref<1x100x100xi32, #tpu.memory_space<hbm>> -> memref<100x100xi32, #tpu.memory_space<hbm>>
      tpu.wait_dma2 semaphore(%run_scoped3A_36 : memref<!tpu.dma_semaphore, #tpu.memory_space<semaphore_mem>>) src(%dma_wait3A_52 : memref<100x100xi32, #tpu.memory_space<hbm>>) dst(%arg7 : memref<100x100xi32, #tpu.memory_space<vmem>>)
      tpu.yield
    }) : () -> ()
    "tpu.region"() ({
      %run_scoped3A_36 = tpu.sem_alloc : memref<!tpu.dma_semaphore, #tpu.memory_space<semaphore_mem>>
      %dma_start3A_37 = arith.constant 0 : i32
      %dma_start3A_38 = arith.constant 0 : i32
      %dma_start3A_39 = tpu.memref_slice %arg4[%add3A, %dma_start3A_37, %dma_start3A_38] : memref<32x100x100xi32, #tpu.memory_space<hbm>> -> memref<1x100x100xi32, #tpu.memory_space<hbm>>
      %dma_start3A_40 = tpu.memref_squeeze %dma_start3A_39 : memref<1x100x100xi32, #tpu.memory_space<hbm>> -> memref<100x100xi32, #tpu.memory_space<hbm>>
      %dma_start3A_41 = arith.constant 0 : i32
      %dma_start3A_42 = arith.constant 0 : i32
      %dma_start3A_43 = tpu.memref_slice %arg4[%add3A, %dma_start3A_41, %dma_start3A_42] : memref<32x100x100xi32, #tpu.memory_space<hbm>> -> memref<1x100x100xi32, #tpu.memory_space<hbm>>
      %dma_start3A_44 = tpu.memref_squeeze %dma_start3A_43 : memref<1x100x100xi32, #tpu.memory_space<hbm>> -> memref<100x100xi32, #tpu.memory_space<hbm>>
      tpu.enqueue_dma source(%dma_start3A_44 : memref<100x100xi32, #tpu.memory_space<hbm>>) target(%arg8 : memref<100x100xi32, #tpu.memory_space<vmem>>) target_semaphore(%run_scoped3A_36 : memref<!tpu.dma_semaphore, #tpu.memory_space<semaphore_mem>>)
      %dma_wait3A_45 = arith.constant 0 : i32
      %dma_wait3A_46 = arith.constant 0 : i32
      %dma_wait3A_47 = tpu.memref_slice %arg4[%add3A, %dma_wait3A_45, %dma_wait3A_46] : memref<32x100x100xi32, #tpu.memory_space<hbm>> -> memref<1x100x100xi32, #tpu.memory_space<hbm>>
      %dma_wait3A_48 = tpu.memref_squeeze %dma_wait3A_47 : memref<1x100x100xi32, #tpu.memory_space<hbm>> -> memref<100x100xi32, #tpu.memory_space<hbm>>
      %dma_wait3A_49 = arith.constant 0 : i32
      %dma_wait3A_50 = arith.constant 0 : i32
      %dma_wait3A_51 = tpu.memref_slice %arg4[%add3A, %dma_wait3A_49, %dma_wait3A_50] : memref<32x100x100xi32, #tpu.memory_space<hbm>> -> memref<1x100x100xi32, #tpu.memory_space<hbm>>
      %dma_wait3A_52 = tpu.memref_squeeze %dma_wait3A_51 : memref<1x100x100xi32, #tpu.memory_space<hbm>> -> memref<100x100xi32, #tpu.memory_space<hbm>>
      tpu.wait_dma2 semaphore(%run_scoped3A_36 : memref<!tpu.dma_semaphore, #tpu.memory_space<semaphore_mem>>) src(%dma_wait3A_52 : memref<100x100xi32, #tpu.memory_space<hbm>>) dst(%arg8 : memref<100x100xi32, #tpu.memory_space<vmem>>)
      tpu.yield
    }) : () -> ()
    "tpu.region"() ({
      %run_scoped3A_36 = tpu.sem_alloc : memref<!tpu.dma_semaphore, #tpu.memory_space<semaphore_mem>>
      %dma_start3A_37 = arith.constant 0 : i32
      %dma_start3A_38 = tpu.memref_slice %arg11[%mul3A_2, %dma_start3A_37] : memref<10112x64xf32, #tpu.memory_space<vmem_shared>> -> memref<632x64xf32, #tpu.memory_space<vmem_shared>>
      %dma_start3A_39 = arith.constant 0 : i32
      %dma_start3A_40 = tpu.memref_slice %arg5[%mul3A_2, %dma_start3A_39] : memref<10112x64xf32, #tpu.memory_space<hbm>> -> memref<632x64xf32, #tpu.memory_space<hbm>>
      tpu.enqueue_dma source(%dma_start3A_40 : memref<632x64xf32, #tpu.memory_space<hbm>>) target(%dma_start3A_38 : memref<632x64xf32, #tpu.memory_space<vmem_shared>>) target_semaphore(%run_scoped3A_36 : memref<!tpu.dma_semaphore, #tpu.memory_space<semaphore_mem>>)
      %dma_wait3A_41 = arith.constant 0 : i32
      %dma_wait3A_42 = tpu.memref_slice %arg11[%mul3A_2, %dma_wait3A_41] : memref<10112x64xf32, #tpu.memory_space<vmem_shared>> -> memref<632x64xf32, #tpu.memory_space<vmem_shared>>
      %dma_wait3A_43 = arith.constant 0 : i32
      %dma_wait3A_44 = tpu.memref_slice %arg5[%mul3A_2, %dma_wait3A_43] : memref<10112x64xf32, #tpu.memory_space<hbm>> -> memref<632x64xf32, #tpu.memory_space<hbm>>
      tpu.wait_dma2 semaphore(%run_scoped3A_36 : memref<!tpu.dma_semaphore, #tpu.memory_space<semaphore_mem>>) src(%dma_wait3A_44 : memref<632x64xf32, #tpu.memory_space<hbm>>) dst(%dma_wait3A_42 : memref<632x64xf32, #tpu.memory_space<vmem_shared>>)
      tpu.yield
    }) : () -> ()
    %barrier3A = arith.constant 0 : index
    tpu.barrier barrier_id(%barrier3A)
    %dma_start3A = arith.constant 0 : i32
    %dma_start3A_3 = arith.constant 0 : i32
    %dma_start3A_4 = tpu.memref_slice %arg7[%dma_start3A, %dma_start3A_3] : memref<100x100xi32, #tpu.memory_space<vmem>> -> memref<1x100xi32, #tpu.memory_space<vmem>>
    %dma_start3A_5 = tpu.memref_squeeze %dma_start3A_4 : memref<1x100xi32, #tpu.memory_space<vmem>> -> memref<100xi32, #tpu.memory_space<vmem>>
    %dma_start3A_6 = arith.constant 0 : i32
    %dma_start3A_7 = arith.constant 0 : i32
    %dma_start3A_8 = tpu.memref_slice %arg2[%dma_start3A_6, %dma_start3A_7] : memref<10000x64xf32, #tpu.memory_space<hbm>> -> memref<10000x64xf32, #tpu.memory_space<hbm>>
    tpu.enqueue_indirect_dma source(%dma_start3A_8 : memref<10000x64xf32, #tpu.memory_space<hbm>>) target(%arg9 : memref<100x64xf32, #tpu.memory_space<vmem>>) offsets(%dma_start3A_5 : memref<100xi32, #tpu.memory_space<vmem>>) semaphore(%arg12 : memref<!tpu.dma_semaphore, #tpu.memory_space<semaphore_mem>>)
    %dma_start3A_9 = arith.constant 1 : i32
    %dma_start3A_10 = arith.constant 0 : i32
    %dma_start3A_11 = tpu.memref_slice %arg7[%dma_start3A_9, %dma_start3A_10] : memref<100x100xi32, #tpu.memory_space<vmem>> -> memref<1x100xi32, #tpu.memory_space<vmem>>
    %dma_start3A_12 = tpu.memref_squeeze %dma_start3A_11 : memref<1x100xi32, #tpu.memory_space<vmem>> -> memref<100xi32, #tpu.memory_space<vmem>>
    %dma_start3A_13 = arith.constant 0 : i32
    %dma_start3A_14 = arith.constant 0 : i32
    %dma_start3A_15 = tpu.memref_slice %arg2[%dma_start3A_13, %dma_start3A_14] : memref<10000x64xf32, #tpu.memory_space<hbm>> -> memref<10000x64xf32, #tpu.memory_space<hbm>>
    tpu.enqueue_indirect_dma source(%dma_start3A_15 : memref<10000x64xf32, #tpu.memory_space<hbm>>) target(%arg10 : memref<100x64xf32, #tpu.memory_space<vmem>>) offsets(%dma_start3A_12 : memref<100xi32, #tpu.memory_space<vmem>>) semaphore(%arg13 : memref<!tpu.dma_semaphore, #tpu.memory_space<semaphore_mem>>)
    %scan3A = arith.constant 0 : i32
    %scan3A_16 = arith.constant 0 : i32
    %scan3A_17 = arith.constant 49 : i32
    %scan3A_18 = arith.addi %scan3A_16, %scan3A_17 : i32
    %scan3A_19 = arith.constant 1 : i32
    scf.for %scan3A_36 = %scan3A_16 to %scan3A_18 step %scan3A_19  : i32 {
      %mul3A_37 = arith.constant 2 : i32
      %mul3A_38 = arith.muli %mul3A_37, %scan3A_36 : i32
      %dma_wait3A_39 = arith.constant 0 : i32
      %dma_wait3A_40 = arith.constant 0 : i32
      %dma_wait3A_41 = tpu.memref_slice %arg7[%dma_wait3A_39, %dma_wait3A_40] : memref<100x100xi32, #tpu.memory_space<vmem>> -> memref<1x100xi32, #tpu.memory_space<vmem>>
      %dma_wait3A_42 = tpu.memref_squeeze %dma_wait3A_41 : memref<1x100xi32, #tpu.memory_space<vmem>> -> memref<100xi32, #tpu.memory_space<vmem>>
      %dma_wait3A_43 = arith.constant 0 : i32
      %dma_wait3A_44 = arith.constant 0 : i32
      %dma_wait3A_45 = tpu.memref_slice %arg2[%dma_wait3A_43, %dma_wait3A_44] : memref<10000x64xf32, #tpu.memory_space<hbm>> -> memref<10000x64xf32, #tpu.memory_space<hbm>>
      tpu.wait_indirect_dma semaphore(%arg12 : memref<!tpu.dma_semaphore, #tpu.memory_space<semaphore_mem>>) src(%dma_wait3A_45 : memref<10000x64xf32, #tpu.memory_space<hbm>>) dst(%arg9 : memref<100x64xf32, #tpu.memory_space<vmem>>)
      "tpu.region"() ({
        %run_scoped3A_71 = tpu.sem_alloc : memref<!tpu.dma_semaphore, #tpu.memory_space<semaphore_mem>>
        %dma_start3A_72 = arith.constant 0 : i32
        %dma_start3A_73 = tpu.memref_slice %arg8[%mul3A_38, %dma_start3A_72] : memref<100x100xi32, #tpu.memory_space<vmem>> -> memref<1x100xi32, #tpu.memory_space<vmem>>
        %dma_start3A_74 = tpu.memref_squeeze %dma_start3A_73 : memref<1x100xi32, #tpu.memory_space<vmem>> -> memref<100xi32, #tpu.memory_space<vmem>>
        %dma_start3A_75 = arith.constant 0 : i32
        %dma_start3A_76 = arith.constant 0 : i32
        %dma_start3A_77 = tpu.memref_slice %arg11[%dma_start3A_75, %dma_start3A_76] : memref<10112x64xf32, #tpu.memory_space<vmem_shared>> -> memref<10112x64xf32, #tpu.memory_space<vmem_shared>>
        tpu.enqueue_indirect_dma source(%arg9 : memref<100x64xf32, #tpu.memory_space<vmem>>) target(%dma_start3A_77 : memref<10112x64xf32, #tpu.memory_space<vmem_shared>>) offsets(%dma_start3A_74 : memref<100xi32, #tpu.memory_space<vmem>>) semaphore(%run_scoped3A_71 : memref<!tpu.dma_semaphore, #tpu.memory_space<semaphore_mem>>) {add = true}
        %dma_wait3A_78 = arith.constant 0 : i32
        %dma_wait3A_79 = tpu.memref_slice %arg8[%mul3A_38, %dma_wait3A_78] : memref<100x100xi32, #tpu.memory_space<vmem>> -> memref<1x100xi32, #tpu.memory_space<vmem>>
        %dma_wait3A_80 = tpu.memref_squeeze %dma_wait3A_79 : memref<1x100xi32, #tpu.memory_space<vmem>> -> memref<100xi32, #tpu.memory_space<vmem>>
        %dma_wait3A_81 = arith.constant 0 : i32
        %dma_wait3A_82 = arith.constant 0 : i32
        %dma_wait3A_83 = tpu.memref_slice %arg11[%dma_wait3A_81, %dma_wait3A_82] : memref<10112x64xf32, #tpu.memory_space<vmem_shared>> -> memref<10112x64xf32, #tpu.memory_space<vmem_shared>>
        tpu.wait_indirect_dma semaphore(%run_scoped3A_71 : memref<!tpu.dma_semaphore, #tpu.memory_space<semaphore_mem>>) src(%arg9 : memref<100x64xf32, #tpu.memory_space<vmem>>) dst(%dma_wait3A_83 : memref<10112x64xf32, #tpu.memory_space<vmem_shared>>)
        tpu.yield
      }) : () -> ()
      %add3A_46 = arith.constant 2 : i32
      %add3A_47 = arith.addi %mul3A_38, %add3A_46 : i32
      %dma_start3A_48 = arith.constant 0 : i32
      %dma_start3A_49 = tpu.memref_slice %arg7[%add3A_47, %dma_start3A_48] : memref<100x100xi32, #tpu.memory_space<vmem>> -> memref<1x100xi32, #tpu.memory_space<vmem>>
      %dma_start3A_50 = tpu.memref_squeeze %dma_start3A_49 : memref<1x100xi32, #tpu.memory_space<vmem>> -> memref<100xi32, #tpu.memory_space<vmem>>
      %dma_start3A_51 = arith.constant 0 : i32
      %dma_start3A_52 = arith.constant 0 : i32
      %dma_start3A_53 = tpu.memref_slice %arg2[%dma_start3A_51, %dma_start3A_52] : memref<10000x64xf32, #tpu.memory_space<hbm>> -> memref<10000x64xf32, #tpu.memory_space<hbm>>
      tpu.enqueue_indirect_dma source(%dma_start3A_53 : memref<10000x64xf32, #tpu.memory_space<hbm>>) target(%arg9 : memref<100x64xf32, #tpu.memory_space<vmem>>) offsets(%dma_start3A_50 : memref<100xi32, #tpu.memory_space<vmem>>) semaphore(%arg12 : memref<!tpu.dma_semaphore, #tpu.memory_space<semaphore_mem>>)
      %dma_wait3A_54 = arith.constant 1 : i32
      %dma_wait3A_55 = arith.constant 0 : i32
      %dma_wait3A_56 = tpu.memref_slice %arg7[%dma_wait3A_54, %dma_wait3A_55] : memref<100x100xi32, #tpu.memory_space<vmem>> -> memref<1x100xi32, #tpu.memory_space<vmem>>
      %dma_wait3A_57 = tpu.memref_squeeze %dma_wait3A_56 : memref<1x100xi32, #tpu.memory_space<vmem>> -> memref<100xi32, #tpu.memory_space<vmem>>
      %dma_wait3A_58 = arith.constant 0 : i32
      %dma_wait3A_59 = arith.constant 0 : i32
      %dma_wait3A_60 = tpu.memref_slice %arg2[%dma_wait3A_58, %dma_wait3A_59] : memref<10000x64xf32, #tpu.memory_space<hbm>> -> memref<10000x64xf32, #tpu.memory_space<hbm>>
      tpu.wait_indirect_dma semaphore(%arg13 : memref<!tpu.dma_semaphore, #tpu.memory_space<semaphore_mem>>) src(%dma_wait3A_60 : memref<10000x64xf32, #tpu.memory_space<hbm>>) dst(%arg10 : memref<100x64xf32, #tpu.memory_space<vmem>>)
      %add3A_61 = arith.constant 1 : i32
      %add3A_62 = arith.addi %mul3A_38, %add3A_61 : i32
      "tpu.region"() ({
        %run_scoped3A_71 = tpu.sem_alloc : memref<!tpu.dma_semaphore, #tpu.memory_space<semaphore_mem>>
        %dma_start3A_72 = arith.constant 0 : i32
        %dma_start3A_73 = tpu.memref_slice %arg8[%add3A_62, %dma_start3A_72] : memref<100x100xi32, #tpu.memory_space<vmem>> -> memref<1x100xi32, #tpu.memory_space<vmem>>
        %dma_start3A_74 = tpu.memref_squeeze %dma_start3A_73 : memref<1x100xi32, #tpu.memory_space<vmem>> -> memref<100xi32, #tpu.memory_space<vmem>>
        %dma_start3A_75 = arith.constant 0 : i32
        %dma_start3A_76 = arith.constant 0 : i32
        %dma_start3A_77 = tpu.memref_slice %arg11[%dma_start3A_75, %dma_start3A_76] : memref<10112x64xf32, #tpu.memory_space<vmem_shared>> -> memref<10112x64xf32, #tpu.memory_space<vmem_shared>>
        tpu.enqueue_indirect_dma source(%arg10 : memref<100x64xf32, #tpu.memory_space<vmem>>) target(%dma_start3A_77 : memref<10112x64xf32, #tpu.memory_space<vmem_shared>>) offsets(%dma_start3A_74 : memref<100xi32, #tpu.memory_space<vmem>>) semaphore(%run_scoped3A_71 : memref<!tpu.dma_semaphore, #tpu.memory_space<semaphore_mem>>) {add = true}
        %dma_wait3A_78 = arith.constant 0 : i32
        %dma_wait3A_79 = tpu.memref_slice %arg8[%add3A_62, %dma_wait3A_78] : memref<100x100xi32, #tpu.memory_space<vmem>> -> memref<1x100xi32, #tpu.memory_space<vmem>>
        %dma_wait3A_80 = tpu.memref_squeeze %dma_wait3A_79 : memref<1x100xi32, #tpu.memory_space<vmem>> -> memref<100xi32, #tpu.memory_space<vmem>>
        %dma_wait3A_81 = arith.constant 0 : i32
        %dma_wait3A_82 = arith.constant 0 : i32
        %dma_wait3A_83 = tpu.memref_slice %arg11[%dma_wait3A_81, %dma_wait3A_82] : memref<10112x64xf32, #tpu.memory_space<vmem_shared>> -> memref<10112x64xf32, #tpu.memory_space<vmem_shared>>
        tpu.wait_indirect_dma semaphore(%run_scoped3A_71 : memref<!tpu.dma_semaphore, #tpu.memory_space<semaphore_mem>>) src(%arg10 : memref<100x64xf32, #tpu.memory_space<vmem>>) dst(%dma_wait3A_83 : memref<10112x64xf32, #tpu.memory_space<vmem_shared>>)
        tpu.yield
      }) : () -> ()
      %add3A_63 = arith.constant 3 : i32
      %add3A_64 = arith.addi %mul3A_38, %add3A_63 : i32
      %dma_start3A_65 = arith.constant 0 : i32
      %dma_start3A_66 = tpu.memref_slice %arg7[%add3A_64, %dma_start3A_65] : memref<100x100xi32, #tpu.memory_space<vmem>> -> memref<1x100xi32, #tpu.memory_space<vmem>>
      %dma_start3A_67 = tpu.memref_squeeze %dma_start3A_66 : memref<1x100xi32, #tpu.memory_space<vmem>> -> memref<100xi32, #tpu.memory_space<vmem>>
      %dma_start3A_68 = arith.constant 0 : i32
      %dma_start3A_69 = arith.constant 0 : i32
      %dma_start3A_70 = tpu.memref_slice %arg2[%dma_start3A_68, %dma_start3A_69] : memref<10000x64xf32, #tpu.memory_space<hbm>> -> memref<10000x64xf32, #tpu.memory_space<hbm>>
      tpu.enqueue_indirect_dma source(%dma_start3A_70 : memref<10000x64xf32, #tpu.memory_space<hbm>>) target(%arg10 : memref<100x64xf32, #tpu.memory_space<vmem>>) offsets(%dma_start3A_67 : memref<100xi32, #tpu.memory_space<vmem>>) semaphore(%arg13 : memref<!tpu.dma_semaphore, #tpu.memory_space<semaphore_mem>>)
    }
    %scan3A_20 = arith.constant 49 : i32
    %dma_wait3A = arith.constant 0 : i32
    %dma_wait3A_21 = arith.constant 0 : i32
    %dma_wait3A_22 = tpu.memref_slice %arg7[%dma_wait3A, %dma_wait3A_21] : memref<100x100xi32, #tpu.memory_space<vmem>> -> memref<1x100xi32, #tpu.memory_space<vmem>>
    %dma_wait3A_23 = tpu.memref_squeeze %dma_wait3A_22 : memref<1x100xi32, #tpu.memory_space<vmem>> -> memref<100xi32, #tpu.memory_space<vmem>>
    %dma_wait3A_24 = arith.constant 0 : i32
    %dma_wait3A_25 = arith.constant 0 : i32
    %dma_wait3A_26 = tpu.memref_slice %arg2[%dma_wait3A_24, %dma_wait3A_25] : memref<10000x64xf32, #tpu.memory_space<hbm>> -> memref<10000x64xf32, #tpu.memory_space<hbm>>
    tpu.wait_indirect_dma semaphore(%arg12 : memref<!tpu.dma_semaphore, #tpu.memory_space<semaphore_mem>>) src(%dma_wait3A_26 : memref<10000x64xf32, #tpu.memory_space<hbm>>) dst(%arg9 : memref<100x64xf32, #tpu.memory_space<vmem>>)
    %run_scoped3A = arith.constant 98 : i32
    "tpu.region"() ({
      %run_scoped3A_36 = tpu.sem_alloc : memref<!tpu.dma_semaphore, #tpu.memory_space<semaphore_mem>>
      %dma_start3A_37 = arith.constant 0 : i32
      %dma_start3A_38 = tpu.memref_slice %arg8[%run_scoped3A, %dma_start3A_37] : memref<100x100xi32, #tpu.memory_space<vmem>> -> memref<1x100xi32, #tpu.memory_space<vmem>>
      %dma_start3A_39 = tpu.memref_squeeze %dma_start3A_38 : memref<1x100xi32, #tpu.memory_space<vmem>> -> memref<100xi32, #tpu.memory_space<vmem>>
      %dma_start3A_40 = arith.constant 0 : i32
      %dma_start3A_41 = arith.constant 0 : i32
      %dma_start3A_42 = tpu.memref_slice %arg11[%dma_start3A_40, %dma_start3A_41] : memref<10112x64xf32, #tpu.memory_space<vmem_shared>> -> memref<10112x64xf32, #tpu.memory_space<vmem_shared>>
      tpu.enqueue_indirect_dma source(%arg9 : memref<100x64xf32, #tpu.memory_space<vmem>>) target(%dma_start3A_42 : memref<10112x64xf32, #tpu.memory_space<vmem_shared>>) offsets(%dma_start3A_39 : memref<100xi32, #tpu.memory_space<vmem>>) semaphore(%run_scoped3A_36 : memref<!tpu.dma_semaphore, #tpu.memory_space<semaphore_mem>>) {add = true}
      %dma_wait3A_43 = arith.constant 0 : i32
      %dma_wait3A_44 = tpu.memref_slice %arg8[%run_scoped3A, %dma_wait3A_43] : memref<100x100xi32, #tpu.memory_space<vmem>> -> memref<1x100xi32, #tpu.memory_space<vmem>>
      %dma_wait3A_45 = tpu.memref_squeeze %dma_wait3A_44 : memref<1x100xi32, #tpu.memory_space<vmem>> -> memref<100xi32, #tpu.memory_space<vmem>>
      %dma_wait3A_46 = arith.constant 0 : i32
      %dma_wait3A_47 = arith.constant 0 : i32
      %dma_wait3A_48 = tpu.memref_slice %arg11[%dma_wait3A_46, %dma_wait3A_47] : memref<10112x64xf32, #tpu.memory_space<vmem_shared>> -> memref<10112x64xf32, #tpu.memory_space<vmem_shared>>
      tpu.wait_indirect_dma semaphore(%run_scoped3A_36 : memref<!tpu.dma_semaphore, #tpu.memory_space<semaphore_mem>>) src(%arg9 : memref<100x64xf32, #tpu.memory_space<vmem>>) dst(%dma_wait3A_48 : memref<10112x64xf32, #tpu.memory_space<vmem_shared>>)
      tpu.yield
    }) : () -> ()
    %dma_wait3A_27 = arith.constant 1 : i32
    %dma_wait3A_28 = arith.constant 0 : i32
    %dma_wait3A_29 = tpu.memref_slice %arg7[%dma_wait3A_27, %dma_wait3A_28] : memref<100x100xi32, #tpu.memory_space<vmem>> -> memref<1x100xi32, #tpu.memory_space<vmem>>
    %dma_wait3A_30 = tpu.memref_squeeze %dma_wait3A_29 : memref<1x100xi32, #tpu.memory_space<vmem>> -> memref<100xi32, #tpu.memory_space<vmem>>
    %dma_wait3A_31 = arith.constant 0 : i32
    %dma_wait3A_32 = arith.constant 0 : i32
    %dma_wait3A_33 = tpu.memref_slice %arg2[%dma_wait3A_31, %dma_wait3A_32] : memref<10000x64xf32, #tpu.memory_space<hbm>> -> memref<10000x64xf32, #tpu.memory_space<hbm>>
    tpu.wait_indirect_dma semaphore(%arg13 : memref<!tpu.dma_semaphore, #tpu.memory_space<semaphore_mem>>) src(%dma_wait3A_33 : memref<10000x64xf32, #tpu.memory_space<hbm>>) dst(%arg10 : memref<100x64xf32, #tpu.memory_space<vmem>>)
    %run_scoped3A_34 = arith.constant 99 : i32
    "tpu.region"() ({
      %run_scoped3A_36 = tpu.sem_alloc : memref<!tpu.dma_semaphore, #tpu.memory_space<semaphore_mem>>
      %dma_start3A_37 = arith.constant 0 : i32
      %dma_start3A_38 = tpu.memref_slice %arg8[%run_scoped3A_34, %dma_start3A_37] : memref<100x100xi32, #tpu.memory_space<vmem>> -> memref<1x100xi32, #tpu.memory_space<vmem>>
      %dma_start3A_39 = tpu.memref_squeeze %dma_start3A_38 : memref<1x100xi32, #tpu.memory_space<vmem>> -> memref<100xi32, #tpu.memory_space<vmem>>
      %dma_start3A_40 = arith.constant 0 : i32
      %dma_start3A_41 = arith.constant 0 : i32
      %dma_start3A_42 = tpu.memref_slice %arg11[%dma_start3A_40, %dma_start3A_41] : memref<10112x64xf32, #tpu.memory_space<vmem_shared>> -> memref<10112x64xf32, #tpu.memory_space<vmem_shared>>
      tpu.enqueue_indirect_dma source(%arg10 : memref<100x64xf32, #tpu.memory_space<vmem>>) target(%dma_start3A_42 : memref<10112x64xf32, #tpu.memory_space<vmem_shared>>) offsets(%dma_start3A_39 : memref<100xi32, #tpu.memory_space<vmem>>) semaphore(%run_scoped3A_36 : memref<!tpu.dma_semaphore, #tpu.memory_space<semaphore_mem>>) {add = true}
      %dma_wait3A_43 = arith.constant 0 : i32
      %dma_wait3A_44 = tpu.memref_slice %arg8[%run_scoped3A_34, %dma_wait3A_43] : memref<100x100xi32, #tpu.memory_space<vmem>> -> memref<1x100xi32, #tpu.memory_space<vmem>>
      %dma_wait3A_45 = tpu.memref_squeeze %dma_wait3A_44 : memref<1x100xi32, #tpu.memory_space<vmem>> -> memref<100xi32, #tpu.memory_space<vmem>>
      %dma_wait3A_46 = arith.constant 0 : i32
      %dma_wait3A_47 = arith.constant 0 : i32
      %dma_wait3A_48 = tpu.memref_slice %arg11[%dma_wait3A_46, %dma_wait3A_47] : memref<10112x64xf32, #tpu.memory_space<vmem_shared>> -> memref<10112x64xf32, #tpu.memory_space<vmem_shared>>
      tpu.wait_indirect_dma semaphore(%run_scoped3A_36 : memref<!tpu.dma_semaphore, #tpu.memory_space<semaphore_mem>>) src(%arg10 : memref<100x64xf32, #tpu.memory_space<vmem>>) dst(%dma_wait3A_48 : memref<10112x64xf32, #tpu.memory_space<vmem_shared>>)
      tpu.yield
    }) : () -> ()
    %barrier3A_35 = arith.constant 0 : index
    tpu.barrier barrier_id(%barrier3A_35)
    "tpu.region"() ({
      %run_scoped3A_36 = tpu.sem_alloc : memref<!tpu.dma_semaphore, #tpu.memory_space<semaphore_mem>>
      %dma_start3A_37 = arith.constant 0 : i32
      %dma_start3A_38 = tpu.memref_slice %arg6[%arg0, %mul3A_2, %dma_start3A_37] : memref<2x10112x64xf32, #tpu.memory_space<hbm>> -> memref<1x632x64xf32, #tpu.memory_space<hbm>>
      %dma_start3A_39 = tpu.memref_squeeze %dma_start3A_38 : memref<1x632x64xf32, #tpu.memory_space<hbm>> -> memref<632x64xf32, #tpu.memory_space<hbm>>
      %dma_start3A_40 = arith.constant 0 : i32
      %dma_start3A_41 = tpu.memref_slice %arg11[%mul3A_2, %dma_start3A_40] : memref<10112x64xf32, #tpu.memory_space<vmem_shared>> -> memref<632x64xf32, #tpu.memory_space<vmem_shared>>
      tpu.enqueue_dma source(%dma_start3A_41 : memref<632x64xf32, #tpu.memory_space<vmem_shared>>) target(%dma_start3A_39 : memref<632x64xf32, #tpu.memory_space<hbm>>) target_semaphore(%run_scoped3A_36 : memref<!tpu.dma_semaphore, #tpu.memory_space<semaphore_mem>>)
      %dma_wait3A_42 = arith.constant 0 : i32
      %dma_wait3A_43 = tpu.memref_slice %arg6[%arg0, %mul3A_2, %dma_wait3A_42] : memref<2x10112x64xf32, #tpu.memory_space<hbm>> -> memref<1x632x64xf32, #tpu.memory_space<hbm>>
      %dma_wait3A_44 = tpu.memref_squeeze %dma_wait3A_43 : memref<1x632x64xf32, #tpu.memory_space<hbm>> -> memref<632x64xf32, #tpu.memory_space<hbm>>
      %dma_wait3A_45 = arith.constant 0 : i32
      %dma_wait3A_46 = tpu.memref_slice %arg11[%mul3A_2, %dma_wait3A_45] : memref<10112x64xf32, #tpu.memory_space<vmem_shared>> -> memref<632x64xf32, #tpu.memory_space<vmem_shared>>
      tpu.wait_dma2 semaphore(%run_scoped3A_36 : memref<!tpu.dma_semaphore, #tpu.memory_space<semaphore_mem>>) src(%dma_wait3A_46 : memref<632x64xf32, #tpu.memory_space<vmem_shared>>) dst(%dma_wait3A_44 : memref<632x64xf32, #tpu.memory_space<hbm>>)
      tpu.yield
    }) : () -> ()
    return
  }
}

#map = affine_map<(d0, d1) -> (0, 0, 0)>
#map1 = affine_map<(d0, d1) -> (0, 0)>
module attributes {stable_mosaic.version = 14 : i64} {
  func.func @degk(%arg0: i32, %arg1: i32, %arg2: memref<32x100x100xi32, #tpu.memory_space<hbm>>, %arg3: memref<100x16xf32, #tpu.memory_space<hbm>>, %arg4: memref<10112x16xf32, #tpu.memory_space<hbm>>, %arg5: memref<2x10112x16xf32, #tpu.memory_space<hbm>>, %arg6: memref<100x100xi32, #tpu.memory_space<vmem>>, %arg7: memref<100x16xf32, #tpu.memory_space<vmem>>, %arg8: memref<10112x16xf32, #tpu.memory_space<vmem_shared>>, %arg9: memref<!tpu.dma_semaphore, #tpu.memory_space<semaphore_mem>>) attributes {dimension_semantics = [#tpu.dimension_semantics<core_parallel>, #tpu.dimension_semantics<subcore_parallel>], iteration_bounds = array<i64: 2, 16>, scalar_prefetch = 0 : i64, scratch_operands = 4 : i64, tpu.core_type = #tpu.core_type<sc_vector_subcore>, window_params = [{transform_indices = #map}, {transform_indices = #map1}, {transform_indices = #map1}, {transform_indices = #map}]} {
    %mul3A = arith.constant 16 : i32
    %mul3A_0 = arith.muli %arg0, %mul3A : i32
    %add3A = arith.addi %mul3A_0, %arg1 : i32
    "tpu.region"() ({
      %run_scoped3A = tpu.sem_alloc : memref<!tpu.dma_semaphore, #tpu.memory_space<semaphore_mem>>
      %dma_start3A = arith.constant 0 : i32
      %dma_start3A_15 = arith.constant 0 : i32
      %dma_start3A_16 = tpu.memref_slice %arg2[%add3A, %dma_start3A, %dma_start3A_15] : memref<32x100x100xi32, #tpu.memory_space<hbm>> -> memref<1x100x100xi32, #tpu.memory_space<hbm>>
      %dma_start3A_17 = tpu.memref_squeeze %dma_start3A_16 : memref<1x100x100xi32, #tpu.memory_space<hbm>> -> memref<100x100xi32, #tpu.memory_space<hbm>>
      %dma_start3A_18 = arith.constant 0 : i32
      %dma_start3A_19 = arith.constant 0 : i32
      %dma_start3A_20 = tpu.memref_slice %arg2[%add3A, %dma_start3A_18, %dma_start3A_19] : memref<32x100x100xi32, #tpu.memory_space<hbm>> -> memref<1x100x100xi32, #tpu.memory_space<hbm>>
      %dma_start3A_21 = tpu.memref_squeeze %dma_start3A_20 : memref<1x100x100xi32, #tpu.memory_space<hbm>> -> memref<100x100xi32, #tpu.memory_space<hbm>>
      tpu.enqueue_dma source(%dma_start3A_21 : memref<100x100xi32, #tpu.memory_space<hbm>>) target(%arg6 : memref<100x100xi32, #tpu.memory_space<vmem>>) target_semaphore(%run_scoped3A : memref<!tpu.dma_semaphore, #tpu.memory_space<semaphore_mem>>)
      %dma_wait3A = arith.constant 0 : i32
      %dma_wait3A_22 = arith.constant 0 : i32
      %dma_wait3A_23 = tpu.memref_slice %arg2[%add3A, %dma_wait3A, %dma_wait3A_22] : memref<32x100x100xi32, #tpu.memory_space<hbm>> -> memref<1x100x100xi32, #tpu.memory_space<hbm>>
      %dma_wait3A_24 = tpu.memref_squeeze %dma_wait3A_23 : memref<1x100x100xi32, #tpu.memory_space<hbm>> -> memref<100x100xi32, #tpu.memory_space<hbm>>
      %dma_wait3A_25 = arith.constant 0 : i32
      %dma_wait3A_26 = arith.constant 0 : i32
      %dma_wait3A_27 = tpu.memref_slice %arg2[%add3A, %dma_wait3A_25, %dma_wait3A_26] : memref<32x100x100xi32, #tpu.memory_space<hbm>> -> memref<1x100x100xi32, #tpu.memory_space<hbm>>
      %dma_wait3A_28 = tpu.memref_squeeze %dma_wait3A_27 : memref<1x100x100xi32, #tpu.memory_space<hbm>> -> memref<100x100xi32, #tpu.memory_space<hbm>>
      tpu.wait_dma2 semaphore(%run_scoped3A : memref<!tpu.dma_semaphore, #tpu.memory_space<semaphore_mem>>) src(%dma_wait3A_28 : memref<100x100xi32, #tpu.memory_space<hbm>>) dst(%arg6 : memref<100x100xi32, #tpu.memory_space<vmem>>)
      tpu.yield
    }) : () -> ()
    "tpu.region"() ({
      %run_scoped3A = tpu.sem_alloc : memref<!tpu.dma_semaphore, #tpu.memory_space<semaphore_mem>>
      tpu.enqueue_dma source(%arg3 : memref<100x16xf32, #tpu.memory_space<hbm>>) target(%arg7 : memref<100x16xf32, #tpu.memory_space<vmem>>) target_semaphore(%run_scoped3A : memref<!tpu.dma_semaphore, #tpu.memory_space<semaphore_mem>>)
      tpu.wait_dma2 semaphore(%run_scoped3A : memref<!tpu.dma_semaphore, #tpu.memory_space<semaphore_mem>>) src(%arg3 : memref<100x16xf32, #tpu.memory_space<hbm>>) dst(%arg7 : memref<100x16xf32, #tpu.memory_space<vmem>>)
      tpu.yield
    }) : () -> ()
    %mul3A_1 = arith.constant 632 : i32
    %mul3A_2 = arith.muli %arg1, %mul3A_1 : i32
    %mul3A_3 = arith.constant 632 : i32
    %mul3A_4 = arith.muli %arg1, %mul3A_3 : i32
    "tpu.region"() ({
      %run_scoped3A = tpu.sem_alloc : memref<!tpu.dma_semaphore, #tpu.memory_space<semaphore_mem>>
      %dma_start3A = arith.constant 0 : i32
      %dma_start3A_15 = tpu.memref_slice %arg8[%mul3A_4, %dma_start3A] : memref<10112x16xf32, #tpu.memory_space<vmem_shared>> -> memref<632x16xf32, #tpu.memory_space<vmem_shared>>
      %dma_start3A_16 = arith.constant 0 : i32
      %dma_start3A_17 = tpu.memref_slice %arg4[%mul3A_2, %dma_start3A_16] : memref<10112x16xf32, #tpu.memory_space<hbm>> -> memref<632x16xf32, #tpu.memory_space<hbm>>
      tpu.enqueue_dma source(%dma_start3A_17 : memref<632x16xf32, #tpu.memory_space<hbm>>) target(%dma_start3A_15 : memref<632x16xf32, #tpu.memory_space<vmem_shared>>) target_semaphore(%run_scoped3A : memref<!tpu.dma_semaphore, #tpu.memory_space<semaphore_mem>>)
      %dma_wait3A = arith.constant 0 : i32
      %dma_wait3A_18 = tpu.memref_slice %arg8[%mul3A_4, %dma_wait3A] : memref<10112x16xf32, #tpu.memory_space<vmem_shared>> -> memref<632x16xf32, #tpu.memory_space<vmem_shared>>
      %dma_wait3A_19 = arith.constant 0 : i32
      %dma_wait3A_20 = tpu.memref_slice %arg4[%mul3A_2, %dma_wait3A_19] : memref<10112x16xf32, #tpu.memory_space<hbm>> -> memref<632x16xf32, #tpu.memory_space<hbm>>
      tpu.wait_dma2 semaphore(%run_scoped3A : memref<!tpu.dma_semaphore, #tpu.memory_space<semaphore_mem>>) src(%dma_wait3A_20 : memref<632x16xf32, #tpu.memory_space<hbm>>) dst(%dma_wait3A_18 : memref<632x16xf32, #tpu.memory_space<vmem_shared>>)
      tpu.yield
    }) : () -> ()
    %barrier3A = arith.constant 0 : index
    tpu.barrier barrier_id(%barrier3A)
    %scan3A = arith.constant 0 : i32
    %scan3A_5 = arith.constant 0 : i32
    %scan3A_6 = arith.constant 10 : i32
    %scan3A_7 = arith.addi %scan3A_5, %scan3A_6 : i32
    %scan3A_8 = arith.constant 1 : i32
    scf.for %scan3A_15 = %scan3A_5 to %scan3A_7 step %scan3A_8  : i32 {
      %mul3A_16 = arith.constant 10 : i32
      %mul3A_17 = arith.muli %scan3A_15, %mul3A_16 : i32
      %add3A_18 = arith.constant 0 : i32
      %add3A_19 = arith.addi %mul3A_17, %add3A_18 : i32
      "tpu.region"() ({
        %run_scoped3A = tpu.sem_alloc : memref<!tpu.dma_semaphore, #tpu.memory_space<semaphore_mem>>
        %dma_start3A = arith.constant 0 : i32
        %dma_start3A_56 = tpu.memref_slice %arg6[%add3A_19, %dma_start3A] : memref<100x100xi32, #tpu.memory_space<vmem>> -> memref<1x100xi32, #tpu.memory_space<vmem>>
        %dma_start3A_57 = tpu.memref_squeeze %dma_start3A_56 : memref<1x100xi32, #tpu.memory_space<vmem>> -> memref<100xi32, #tpu.memory_space<vmem>>
        %dma_start3A_58 = arith.constant 0 : i32
        %dma_start3A_59 = arith.constant 0 : i32
        %dma_start3A_60 = tpu.memref_slice %arg8[%dma_start3A_58, %dma_start3A_59] : memref<10112x16xf32, #tpu.memory_space<vmem_shared>> -> memref<10112x16xf32, #tpu.memory_space<vmem_shared>>
        tpu.enqueue_indirect_dma source(%arg7 : memref<100x16xf32, #tpu.memory_space<vmem>>) target(%dma_start3A_60 : memref<10112x16xf32, #tpu.memory_space<vmem_shared>>) offsets(%dma_start3A_57 : memref<100xi32, #tpu.memory_space<vmem>>) semaphore(%run_scoped3A : memref<!tpu.dma_semaphore, #tpu.memory_space<semaphore_mem>>) {add = true}
        %dma_wait3A = arith.constant 0 : i32
        %dma_wait3A_61 = tpu.memref_slice %arg6[%add3A_19, %dma_wait3A] : memref<100x100xi32, #tpu.memory_space<vmem>> -> memref<1x100xi32, #tpu.memory_space<vmem>>
        %dma_wait3A_62 = tpu.memref_squeeze %dma_wait3A_61 : memref<1x100xi32, #tpu.memory_space<vmem>> -> memref<100xi32, #tpu.memory_space<vmem>>
        %dma_wait3A_63 = arith.constant 0 : i32
        %dma_wait3A_64 = arith.constant 0 : i32
        %dma_wait3A_65 = tpu.memref_slice %arg8[%dma_wait3A_63, %dma_wait3A_64] : memref<10112x16xf32, #tpu.memory_space<vmem_shared>> -> memref<10112x16xf32, #tpu.memory_space<vmem_shared>>
        tpu.wait_indirect_dma semaphore(%run_scoped3A : memref<!tpu.dma_semaphore, #tpu.memory_space<semaphore_mem>>) src(%arg7 : memref<100x16xf32, #tpu.memory_space<vmem>>) dst(%dma_wait3A_65 : memref<10112x16xf32, #tpu.memory_space<vmem_shared>>)
        tpu.yield
      }) : () -> ()
      %mul3A_20 = arith.constant 10 : i32
      %mul3A_21 = arith.muli %scan3A_15, %mul3A_20 : i32
      %add3A_22 = arith.constant 1 : i32
      %add3A_23 = arith.addi %mul3A_21, %add3A_22 : i32
      "tpu.region"() ({
        %run_scoped3A = tpu.sem_alloc : memref<!tpu.dma_semaphore, #tpu.memory_space<semaphore_mem>>
        %dma_start3A = arith.constant 0 : i32
        %dma_start3A_56 = tpu.memref_slice %arg6[%add3A_23, %dma_start3A] : memref<100x100xi32, #tpu.memory_space<vmem>> -> memref<1x100xi32, #tpu.memory_space<vmem>>
        %dma_start3A_57 = tpu.memref_squeeze %dma_start3A_56 : memref<1x100xi32, #tpu.memory_space<vmem>> -> memref<100xi32, #tpu.memory_space<vmem>>
        %dma_start3A_58 = arith.constant 0 : i32
        %dma_start3A_59 = arith.constant 0 : i32
        %dma_start3A_60 = tpu.memref_slice %arg8[%dma_start3A_58, %dma_start3A_59] : memref<10112x16xf32, #tpu.memory_space<vmem_shared>> -> memref<10112x16xf32, #tpu.memory_space<vmem_shared>>
        tpu.enqueue_indirect_dma source(%arg7 : memref<100x16xf32, #tpu.memory_space<vmem>>) target(%dma_start3A_60 : memref<10112x16xf32, #tpu.memory_space<vmem_shared>>) offsets(%dma_start3A_57 : memref<100xi32, #tpu.memory_space<vmem>>) semaphore(%run_scoped3A : memref<!tpu.dma_semaphore, #tpu.memory_space<semaphore_mem>>) {add = true}
        %dma_wait3A = arith.constant 0 : i32
        %dma_wait3A_61 = tpu.memref_slice %arg6[%add3A_23, %dma_wait3A] : memref<100x100xi32, #tpu.memory_space<vmem>> -> memref<1x100xi32, #tpu.memory_space<vmem>>
        %dma_wait3A_62 = tpu.memref_squeeze %dma_wait3A_61 : memref<1x100xi32, #tpu.memory_space<vmem>> -> memref<100xi32, #tpu.memory_space<vmem>>
        %dma_wait3A_63 = arith.constant 0 : i32
        %dma_wait3A_64 = arith.constant 0 : i32
        %dma_wait3A_65 = tpu.memref_slice %arg8[%dma_wait3A_63, %dma_wait3A_64] : memref<10112x16xf32, #tpu.memory_space<vmem_shared>> -> memref<10112x16xf32, #tpu.memory_space<vmem_shared>>
        tpu.wait_indirect_dma semaphore(%run_scoped3A : memref<!tpu.dma_semaphore, #tpu.memory_space<semaphore_mem>>) src(%arg7 : memref<100x16xf32, #tpu.memory_space<vmem>>) dst(%dma_wait3A_65 : memref<10112x16xf32, #tpu.memory_space<vmem_shared>>)
        tpu.yield
      }) : () -> ()
      %mul3A_24 = arith.constant 10 : i32
      %mul3A_25 = arith.muli %scan3A_15, %mul3A_24 : i32
      %add3A_26 = arith.constant 2 : i32
      %add3A_27 = arith.addi %mul3A_25, %add3A_26 : i32
      "tpu.region"() ({
        %run_scoped3A = tpu.sem_alloc : memref<!tpu.dma_semaphore, #tpu.memory_space<semaphore_mem>>
        %dma_start3A = arith.constant 0 : i32
        %dma_start3A_56 = tpu.memref_slice %arg6[%add3A_27, %dma_start3A] : memref<100x100xi32, #tpu.memory_space<vmem>> -> memref<1x100xi32, #tpu.memory_space<vmem>>
        %dma_start3A_57 = tpu.memref_squeeze %dma_start3A_56 : memref<1x100xi32, #tpu.memory_space<vmem>> -> memref<100xi32, #tpu.memory_space<vmem>>
        %dma_start3A_58 = arith.constant 0 : i32
        %dma_start3A_59 = arith.constant 0 : i32
        %dma_start3A_60 = tpu.memref_slice %arg8[%dma_start3A_58, %dma_start3A_59] : memref<10112x16xf32, #tpu.memory_space<vmem_shared>> -> memref<10112x16xf32, #tpu.memory_space<vmem_shared>>
        tpu.enqueue_indirect_dma source(%arg7 : memref<100x16xf32, #tpu.memory_space<vmem>>) target(%dma_start3A_60 : memref<10112x16xf32, #tpu.memory_space<vmem_shared>>) offsets(%dma_start3A_57 : memref<100xi32, #tpu.memory_space<vmem>>) semaphore(%run_scoped3A : memref<!tpu.dma_semaphore, #tpu.memory_space<semaphore_mem>>) {add = true}
        %dma_wait3A = arith.constant 0 : i32
        %dma_wait3A_61 = tpu.memref_slice %arg6[%add3A_27, %dma_wait3A] : memref<100x100xi32, #tpu.memory_space<vmem>> -> memref<1x100xi32, #tpu.memory_space<vmem>>
        %dma_wait3A_62 = tpu.memref_squeeze %dma_wait3A_61 : memref<1x100xi32, #tpu.memory_space<vmem>> -> memref<100xi32, #tpu.memory_space<vmem>>
        %dma_wait3A_63 = arith.constant 0 : i32
        %dma_wait3A_64 = arith.constant 0 : i32
        %dma_wait3A_65 = tpu.memref_slice %arg8[%dma_wait3A_63, %dma_wait3A_64] : memref<10112x16xf32, #tpu.memory_space<vmem_shared>> -> memref<10112x16xf32, #tpu.memory_space<vmem_shared>>
        tpu.wait_indirect_dma semaphore(%run_scoped3A : memref<!tpu.dma_semaphore, #tpu.memory_space<semaphore_mem>>) src(%arg7 : memref<100x16xf32, #tpu.memory_space<vmem>>) dst(%dma_wait3A_65 : memref<10112x16xf32, #tpu.memory_space<vmem_shared>>)
        tpu.yield
      }) : () -> ()
      %mul3A_28 = arith.constant 10 : i32
      %mul3A_29 = arith.muli %scan3A_15, %mul3A_28 : i32
      %add3A_30 = arith.constant 3 : i32
      %add3A_31 = arith.addi %mul3A_29, %add3A_30 : i32
      "tpu.region"() ({
        %run_scoped3A = tpu.sem_alloc : memref<!tpu.dma_semaphore, #tpu.memory_space<semaphore_mem>>
        %dma_start3A = arith.constant 0 : i32
        %dma_start3A_56 = tpu.memref_slice %arg6[%add3A_31, %dma_start3A] : memref<100x100xi32, #tpu.memory_space<vmem>> -> memref<1x100xi32, #tpu.memory_space<vmem>>
        %dma_start3A_57 = tpu.memref_squeeze %dma_start3A_56 : memref<1x100xi32, #tpu.memory_space<vmem>> -> memref<100xi32, #tpu.memory_space<vmem>>
        %dma_start3A_58 = arith.constant 0 : i32
        %dma_start3A_59 = arith.constant 0 : i32
        %dma_start3A_60 = tpu.memref_slice %arg8[%dma_start3A_58, %dma_start3A_59] : memref<10112x16xf32, #tpu.memory_space<vmem_shared>> -> memref<10112x16xf32, #tpu.memory_space<vmem_shared>>
        tpu.enqueue_indirect_dma source(%arg7 : memref<100x16xf32, #tpu.memory_space<vmem>>) target(%dma_start3A_60 : memref<10112x16xf32, #tpu.memory_space<vmem_shared>>) offsets(%dma_start3A_57 : memref<100xi32, #tpu.memory_space<vmem>>) semaphore(%run_scoped3A : memref<!tpu.dma_semaphore, #tpu.memory_space<semaphore_mem>>) {add = true}
        %dma_wait3A = arith.constant 0 : i32
        %dma_wait3A_61 = tpu.memref_slice %arg6[%add3A_31, %dma_wait3A] : memref<100x100xi32, #tpu.memory_space<vmem>> -> memref<1x100xi32, #tpu.memory_space<vmem>>
        %dma_wait3A_62 = tpu.memref_squeeze %dma_wait3A_61 : memref<1x100xi32, #tpu.memory_space<vmem>> -> memref<100xi32, #tpu.memory_space<vmem>>
        %dma_wait3A_63 = arith.constant 0 : i32
        %dma_wait3A_64 = arith.constant 0 : i32
        %dma_wait3A_65 = tpu.memref_slice %arg8[%dma_wait3A_63, %dma_wait3A_64] : memref<10112x16xf32, #tpu.memory_space<vmem_shared>> -> memref<10112x16xf32, #tpu.memory_space<vmem_shared>>
        tpu.wait_indirect_dma semaphore(%run_scoped3A : memref<!tpu.dma_semaphore, #tpu.memory_space<semaphore_mem>>) src(%arg7 : memref<100x16xf32, #tpu.memory_space<vmem>>) dst(%dma_wait3A_65 : memref<10112x16xf32, #tpu.memory_space<vmem_shared>>)
        tpu.yield
      }) : () -> ()
      %mul3A_32 = arith.constant 10 : i32
      %mul3A_33 = arith.muli %scan3A_15, %mul3A_32 : i32
      %add3A_34 = arith.constant 4 : i32
      %add3A_35 = arith.addi %mul3A_33, %add3A_34 : i32
      "tpu.region"() ({
        %run_scoped3A = tpu.sem_alloc : memref<!tpu.dma_semaphore, #tpu.memory_space<semaphore_mem>>
        %dma_start3A = arith.constant 0 : i32
        %dma_start3A_56 = tpu.memref_slice %arg6[%add3A_35, %dma_start3A] : memref<100x100xi32, #tpu.memory_space<vmem>> -> memref<1x100xi32, #tpu.memory_space<vmem>>
        %dma_start3A_57 = tpu.memref_squeeze %dma_start3A_56 : memref<1x100xi32, #tpu.memory_space<vmem>> -> memref<100xi32, #tpu.memory_space<vmem>>
        %dma_start3A_58 = arith.constant 0 : i32
        %dma_start3A_59 = arith.constant 0 : i32
        %dma_start3A_60 = tpu.memref_slice %arg8[%dma_start3A_58, %dma_start3A_59] : memref<10112x16xf32, #tpu.memory_space<vmem_shared>> -> memref<10112x16xf32, #tpu.memory_space<vmem_shared>>
        tpu.enqueue_indirect_dma source(%arg7 : memref<100x16xf32, #tpu.memory_space<vmem>>) target(%dma_start3A_60 : memref<10112x16xf32, #tpu.memory_space<vmem_shared>>) offsets(%dma_start3A_57 : memref<100xi32, #tpu.memory_space<vmem>>) semaphore(%run_scoped3A : memref<!tpu.dma_semaphore, #tpu.memory_space<semaphore_mem>>) {add = true}
        %dma_wait3A = arith.constant 0 : i32
        %dma_wait3A_61 = tpu.memref_slice %arg6[%add3A_35, %dma_wait3A] : memref<100x100xi32, #tpu.memory_space<vmem>> -> memref<1x100xi32, #tpu.memory_space<vmem>>
        %dma_wait3A_62 = tpu.memref_squeeze %dma_wait3A_61 : memref<1x100xi32, #tpu.memory_space<vmem>> -> memref<100xi32, #tpu.memory_space<vmem>>
        %dma_wait3A_63 = arith.constant 0 : i32
        %dma_wait3A_64 = arith.constant 0 : i32
        %dma_wait3A_65 = tpu.memref_slice %arg8[%dma_wait3A_63, %dma_wait3A_64] : memref<10112x16xf32, #tpu.memory_space<vmem_shared>> -> memref<10112x16xf32, #tpu.memory_space<vmem_shared>>
        tpu.wait_indirect_dma semaphore(%run_scoped3A : memref<!tpu.dma_semaphore, #tpu.memory_space<semaphore_mem>>) src(%arg7 : memref<100x16xf32, #tpu.memory_space<vmem>>) dst(%dma_wait3A_65 : memref<10112x16xf32, #tpu.memory_space<vmem_shared>>)
        tpu.yield
      }) : () -> ()
      %mul3A_36 = arith.constant 10 : i32
      %mul3A_37 = arith.muli %scan3A_15, %mul3A_36 : i32
      %add3A_38 = arith.constant 5 : i32
      %add3A_39 = arith.addi %mul3A_37, %add3A_38 : i32
      "tpu.region"() ({
        %run_scoped3A = tpu.sem_alloc : memref<!tpu.dma_semaphore, #tpu.memory_space<semaphore_mem>>
        %dma_start3A = arith.constant 0 : i32
        %dma_start3A_56 = tpu.memref_slice %arg6[%add3A_39, %dma_start3A] : memref<100x100xi32, #tpu.memory_space<vmem>> -> memref<1x100xi32, #tpu.memory_space<vmem>>
        %dma_start3A_57 = tpu.memref_squeeze %dma_start3A_56 : memref<1x100xi32, #tpu.memory_space<vmem>> -> memref<100xi32, #tpu.memory_space<vmem>>
        %dma_start3A_58 = arith.constant 0 : i32
        %dma_start3A_59 = arith.constant 0 : i32
        %dma_start3A_60 = tpu.memref_slice %arg8[%dma_start3A_58, %dma_start3A_59] : memref<10112x16xf32, #tpu.memory_space<vmem_shared>> -> memref<10112x16xf32, #tpu.memory_space<vmem_shared>>
        tpu.enqueue_indirect_dma source(%arg7 : memref<100x16xf32, #tpu.memory_space<vmem>>) target(%dma_start3A_60 : memref<10112x16xf32, #tpu.memory_space<vmem_shared>>) offsets(%dma_start3A_57 : memref<100xi32, #tpu.memory_space<vmem>>) semaphore(%run_scoped3A : memref<!tpu.dma_semaphore, #tpu.memory_space<semaphore_mem>>) {add = true}
        %dma_wait3A = arith.constant 0 : i32
        %dma_wait3A_61 = tpu.memref_slice %arg6[%add3A_39, %dma_wait3A] : memref<100x100xi32, #tpu.memory_space<vmem>> -> memref<1x100xi32, #tpu.memory_space<vmem>>
        %dma_wait3A_62 = tpu.memref_squeeze %dma_wait3A_61 : memref<1x100xi32, #tpu.memory_space<vmem>> -> memref<100xi32, #tpu.memory_space<vmem>>
        %dma_wait3A_63 = arith.constant 0 : i32
        %dma_wait3A_64 = arith.constant 0 : i32
        %dma_wait3A_65 = tpu.memref_slice %arg8[%dma_wait3A_63, %dma_wait3A_64] : memref<10112x16xf32, #tpu.memory_space<vmem_shared>> -> memref<10112x16xf32, #tpu.memory_space<vmem_shared>>
        tpu.wait_indirect_dma semaphore(%run_scoped3A : memref<!tpu.dma_semaphore, #tpu.memory_space<semaphore_mem>>) src(%arg7 : memref<100x16xf32, #tpu.memory_space<vmem>>) dst(%dma_wait3A_65 : memref<10112x16xf32, #tpu.memory_space<vmem_shared>>)
        tpu.yield
      }) : () -> ()
      %mul3A_40 = arith.constant 10 : i32
      %mul3A_41 = arith.muli %scan3A_15, %mul3A_40 : i32
      %add3A_42 = arith.constant 6 : i32
      %add3A_43 = arith.addi %mul3A_41, %add3A_42 : i32
      "tpu.region"() ({
        %run_scoped3A = tpu.sem_alloc : memref<!tpu.dma_semaphore, #tpu.memory_space<semaphore_mem>>
        %dma_start3A = arith.constant 0 : i32
        %dma_start3A_56 = tpu.memref_slice %arg6[%add3A_43, %dma_start3A] : memref<100x100xi32, #tpu.memory_space<vmem>> -> memref<1x100xi32, #tpu.memory_space<vmem>>
        %dma_start3A_57 = tpu.memref_squeeze %dma_start3A_56 : memref<1x100xi32, #tpu.memory_space<vmem>> -> memref<100xi32, #tpu.memory_space<vmem>>
        %dma_start3A_58 = arith.constant 0 : i32
        %dma_start3A_59 = arith.constant 0 : i32
        %dma_start3A_60 = tpu.memref_slice %arg8[%dma_start3A_58, %dma_start3A_59] : memref<10112x16xf32, #tpu.memory_space<vmem_shared>> -> memref<10112x16xf32, #tpu.memory_space<vmem_shared>>
        tpu.enqueue_indirect_dma source(%arg7 : memref<100x16xf32, #tpu.memory_space<vmem>>) target(%dma_start3A_60 : memref<10112x16xf32, #tpu.memory_space<vmem_shared>>) offsets(%dma_start3A_57 : memref<100xi32, #tpu.memory_space<vmem>>) semaphore(%run_scoped3A : memref<!tpu.dma_semaphore, #tpu.memory_space<semaphore_mem>>) {add = true}
        %dma_wait3A = arith.constant 0 : i32
        %dma_wait3A_61 = tpu.memref_slice %arg6[%add3A_43, %dma_wait3A] : memref<100x100xi32, #tpu.memory_space<vmem>> -> memref<1x100xi32, #tpu.memory_space<vmem>>
        %dma_wait3A_62 = tpu.memref_squeeze %dma_wait3A_61 : memref<1x100xi32, #tpu.memory_space<vmem>> -> memref<100xi32, #tpu.memory_space<vmem>>
        %dma_wait3A_63 = arith.constant 0 : i32
        %dma_wait3A_64 = arith.constant 0 : i32
        %dma_wait3A_65 = tpu.memref_slice %arg8[%dma_wait3A_63, %dma_wait3A_64] : memref<10112x16xf32, #tpu.memory_space<vmem_shared>> -> memref<10112x16xf32, #tpu.memory_space<vmem_shared>>
        tpu.wait_indirect_dma semaphore(%run_scoped3A : memref<!tpu.dma_semaphore, #tpu.memory_space<semaphore_mem>>) src(%arg7 : memref<100x16xf32, #tpu.memory_space<vmem>>) dst(%dma_wait3A_65 : memref<10112x16xf32, #tpu.memory_space<vmem_shared>>)
        tpu.yield
      }) : () -> ()
      %mul3A_44 = arith.constant 10 : i32
      %mul3A_45 = arith.muli %scan3A_15, %mul3A_44 : i32
      %add3A_46 = arith.constant 7 : i32
      %add3A_47 = arith.addi %mul3A_45, %add3A_46 : i32
      "tpu.region"() ({
        %run_scoped3A = tpu.sem_alloc : memref<!tpu.dma_semaphore, #tpu.memory_space<semaphore_mem>>
        %dma_start3A = arith.constant 0 : i32
        %dma_start3A_56 = tpu.memref_slice %arg6[%add3A_47, %dma_start3A] : memref<100x100xi32, #tpu.memory_space<vmem>> -> memref<1x100xi32, #tpu.memory_space<vmem>>
        %dma_start3A_57 = tpu.memref_squeeze %dma_start3A_56 : memref<1x100xi32, #tpu.memory_space<vmem>> -> memref<100xi32, #tpu.memory_space<vmem>>
        %dma_start3A_58 = arith.constant 0 : i32
        %dma_start3A_59 = arith.constant 0 : i32
        %dma_start3A_60 = tpu.memref_slice %arg8[%dma_start3A_58, %dma_start3A_59] : memref<10112x16xf32, #tpu.memory_space<vmem_shared>> -> memref<10112x16xf32, #tpu.memory_space<vmem_shared>>
        tpu.enqueue_indirect_dma source(%arg7 : memref<100x16xf32, #tpu.memory_space<vmem>>) target(%dma_start3A_60 : memref<10112x16xf32, #tpu.memory_space<vmem_shared>>) offsets(%dma_start3A_57 : memref<100xi32, #tpu.memory_space<vmem>>) semaphore(%run_scoped3A : memref<!tpu.dma_semaphore, #tpu.memory_space<semaphore_mem>>) {add = true}
        %dma_wait3A = arith.constant 0 : i32
        %dma_wait3A_61 = tpu.memref_slice %arg6[%add3A_47, %dma_wait3A] : memref<100x100xi32, #tpu.memory_space<vmem>> -> memref<1x100xi32, #tpu.memory_space<vmem>>
        %dma_wait3A_62 = tpu.memref_squeeze %dma_wait3A_61 : memref<1x100xi32, #tpu.memory_space<vmem>> -> memref<100xi32, #tpu.memory_space<vmem>>
        %dma_wait3A_63 = arith.constant 0 : i32
        %dma_wait3A_64 = arith.constant 0 : i32
        %dma_wait3A_65 = tpu.memref_slice %arg8[%dma_wait3A_63, %dma_wait3A_64] : memref<10112x16xf32, #tpu.memory_space<vmem_shared>> -> memref<10112x16xf32, #tpu.memory_space<vmem_shared>>
        tpu.wait_indirect_dma semaphore(%run_scoped3A : memref<!tpu.dma_semaphore, #tpu.memory_space<semaphore_mem>>) src(%arg7 : memref<100x16xf32, #tpu.memory_space<vmem>>) dst(%dma_wait3A_65 : memref<10112x16xf32, #tpu.memory_space<vmem_shared>>)
        tpu.yield
      }) : () -> ()
      %mul3A_48 = arith.constant 10 : i32
      %mul3A_49 = arith.muli %scan3A_15, %mul3A_48 : i32
      %add3A_50 = arith.constant 8 : i32
      %add3A_51 = arith.addi %mul3A_49, %add3A_50 : i32
      "tpu.region"() ({
        %run_scoped3A = tpu.sem_alloc : memref<!tpu.dma_semaphore, #tpu.memory_space<semaphore_mem>>
        %dma_start3A = arith.constant 0 : i32
        %dma_start3A_56 = tpu.memref_slice %arg6[%add3A_51, %dma_start3A] : memref<100x100xi32, #tpu.memory_space<vmem>> -> memref<1x100xi32, #tpu.memory_space<vmem>>
        %dma_start3A_57 = tpu.memref_squeeze %dma_start3A_56 : memref<1x100xi32, #tpu.memory_space<vmem>> -> memref<100xi32, #tpu.memory_space<vmem>>
        %dma_start3A_58 = arith.constant 0 : i32
        %dma_start3A_59 = arith.constant 0 : i32
        %dma_start3A_60 = tpu.memref_slice %arg8[%dma_start3A_58, %dma_start3A_59] : memref<10112x16xf32, #tpu.memory_space<vmem_shared>> -> memref<10112x16xf32, #tpu.memory_space<vmem_shared>>
        tpu.enqueue_indirect_dma source(%arg7 : memref<100x16xf32, #tpu.memory_space<vmem>>) target(%dma_start3A_60 : memref<10112x16xf32, #tpu.memory_space<vmem_shared>>) offsets(%dma_start3A_57 : memref<100xi32, #tpu.memory_space<vmem>>) semaphore(%run_scoped3A : memref<!tpu.dma_semaphore, #tpu.memory_space<semaphore_mem>>) {add = true}
        %dma_wait3A = arith.constant 0 : i32
        %dma_wait3A_61 = tpu.memref_slice %arg6[%add3A_51, %dma_wait3A] : memref<100x100xi32, #tpu.memory_space<vmem>> -> memref<1x100xi32, #tpu.memory_space<vmem>>
        %dma_wait3A_62 = tpu.memref_squeeze %dma_wait3A_61 : memref<1x100xi32, #tpu.memory_space<vmem>> -> memref<100xi32, #tpu.memory_space<vmem>>
        %dma_wait3A_63 = arith.constant 0 : i32
        %dma_wait3A_64 = arith.constant 0 : i32
        %dma_wait3A_65 = tpu.memref_slice %arg8[%dma_wait3A_63, %dma_wait3A_64] : memref<10112x16xf32, #tpu.memory_space<vmem_shared>> -> memref<10112x16xf32, #tpu.memory_space<vmem_shared>>
        tpu.wait_indirect_dma semaphore(%run_scoped3A : memref<!tpu.dma_semaphore, #tpu.memory_space<semaphore_mem>>) src(%arg7 : memref<100x16xf32, #tpu.memory_space<vmem>>) dst(%dma_wait3A_65 : memref<10112x16xf32, #tpu.memory_space<vmem_shared>>)
        tpu.yield
      }) : () -> ()
      %mul3A_52 = arith.constant 10 : i32
      %mul3A_53 = arith.muli %scan3A_15, %mul3A_52 : i32
      %add3A_54 = arith.constant 9 : i32
      %add3A_55 = arith.addi %mul3A_53, %add3A_54 : i32
      "tpu.region"() ({
        %run_scoped3A = tpu.sem_alloc : memref<!tpu.dma_semaphore, #tpu.memory_space<semaphore_mem>>
        %dma_start3A = arith.constant 0 : i32
        %dma_start3A_56 = tpu.memref_slice %arg6[%add3A_55, %dma_start3A] : memref<100x100xi32, #tpu.memory_space<vmem>> -> memref<1x100xi32, #tpu.memory_space<vmem>>
        %dma_start3A_57 = tpu.memref_squeeze %dma_start3A_56 : memref<1x100xi32, #tpu.memory_space<vmem>> -> memref<100xi32, #tpu.memory_space<vmem>>
        %dma_start3A_58 = arith.constant 0 : i32
        %dma_start3A_59 = arith.constant 0 : i32
        %dma_start3A_60 = tpu.memref_slice %arg8[%dma_start3A_58, %dma_start3A_59] : memref<10112x16xf32, #tpu.memory_space<vmem_shared>> -> memref<10112x16xf32, #tpu.memory_space<vmem_shared>>
        tpu.enqueue_indirect_dma source(%arg7 : memref<100x16xf32, #tpu.memory_space<vmem>>) target(%dma_start3A_60 : memref<10112x16xf32, #tpu.memory_space<vmem_shared>>) offsets(%dma_start3A_57 : memref<100xi32, #tpu.memory_space<vmem>>) semaphore(%run_scoped3A : memref<!tpu.dma_semaphore, #tpu.memory_space<semaphore_mem>>) {add = true}
        %dma_wait3A = arith.constant 0 : i32
        %dma_wait3A_61 = tpu.memref_slice %arg6[%add3A_55, %dma_wait3A] : memref<100x100xi32, #tpu.memory_space<vmem>> -> memref<1x100xi32, #tpu.memory_space<vmem>>
        %dma_wait3A_62 = tpu.memref_squeeze %dma_wait3A_61 : memref<1x100xi32, #tpu.memory_space<vmem>> -> memref<100xi32, #tpu.memory_space<vmem>>
        %dma_wait3A_63 = arith.constant 0 : i32
        %dma_wait3A_64 = arith.constant 0 : i32
        %dma_wait3A_65 = tpu.memref_slice %arg8[%dma_wait3A_63, %dma_wait3A_64] : memref<10112x16xf32, #tpu.memory_space<vmem_shared>> -> memref<10112x16xf32, #tpu.memory_space<vmem_shared>>
        tpu.wait_indirect_dma semaphore(%run_scoped3A : memref<!tpu.dma_semaphore, #tpu.memory_space<semaphore_mem>>) src(%arg7 : memref<100x16xf32, #tpu.memory_space<vmem>>) dst(%dma_wait3A_65 : memref<10112x16xf32, #tpu.memory_space<vmem_shared>>)
        tpu.yield
      }) : () -> ()
    }
    %scan3A_9 = arith.constant 10 : i32
    %barrier3A_10 = arith.constant 0 : index
    tpu.barrier barrier_id(%barrier3A_10)
    %mul3A_11 = arith.constant 632 : i32
    %mul3A_12 = arith.muli %arg1, %mul3A_11 : i32
    %mul3A_13 = arith.constant 632 : i32
    %mul3A_14 = arith.muli %arg1, %mul3A_13 : i32
    "tpu.region"() ({
      %run_scoped3A = tpu.sem_alloc : memref<!tpu.dma_semaphore, #tpu.memory_space<semaphore_mem>>
      %dma_start3A = arith.constant 0 : i32
      %dma_start3A_15 = tpu.memref_slice %arg5[%arg0, %mul3A_14, %dma_start3A] : memref<2x10112x16xf32, #tpu.memory_space<hbm>> -> memref<1x632x16xf32, #tpu.memory_space<hbm>>
      %dma_start3A_16 = tpu.memref_squeeze %dma_start3A_15 : memref<1x632x16xf32, #tpu.memory_space<hbm>> -> memref<632x16xf32, #tpu.memory_space<hbm>>
      %dma_start3A_17 = arith.constant 0 : i32
      %dma_start3A_18 = tpu.memref_slice %arg8[%mul3A_12, %dma_start3A_17] : memref<10112x16xf32, #tpu.memory_space<vmem_shared>> -> memref<632x16xf32, #tpu.memory_space<vmem_shared>>
      tpu.enqueue_dma source(%dma_start3A_18 : memref<632x16xf32, #tpu.memory_space<vmem_shared>>) target(%dma_start3A_16 : memref<632x16xf32, #tpu.memory_space<hbm>>) target_semaphore(%run_scoped3A : memref<!tpu.dma_semaphore, #tpu.memory_space<semaphore_mem>>)
      %dma_wait3A = arith.constant 0 : i32
      %dma_wait3A_19 = tpu.memref_slice %arg5[%arg0, %mul3A_14, %dma_wait3A] : memref<2x10112x16xf32, #tpu.memory_space<hbm>> -> memref<1x632x16xf32, #tpu.memory_space<hbm>>
      %dma_wait3A_20 = tpu.memref_squeeze %dma_wait3A_19 : memref<1x632x16xf32, #tpu.memory_space<hbm>> -> memref<632x16xf32, #tpu.memory_space<hbm>>
      %dma_wait3A_21 = arith.constant 0 : i32
      %dma_wait3A_22 = tpu.memref_slice %arg8[%mul3A_12, %dma_wait3A_21] : memref<10112x16xf32, #tpu.memory_space<vmem_shared>> -> memref<632x16xf32, #tpu.memory_space<vmem_shared>>
      tpu.wait_dma2 semaphore(%run_scoped3A : memref<!tpu.dma_semaphore, #tpu.memory_space<semaphore_mem>>) src(%dma_wait3A_22 : memref<632x16xf32, #tpu.memory_space<vmem_shared>>) dst(%dma_wait3A_20 : memref<632x16xf32, #tpu.memory_space<hbm>>)
      tpu.yield
    }) : () -> ()
    return
  }
}

#map = affine_map<(d0, d1) -> (0, 0)>
#map1 = affine_map<(d0, d1) -> (0, 0, 0)>
module attributes {stable_mosaic.version = 14 : i64} {
  func.func @aggk(%arg0: i32, %arg1: i32, %arg2: memref<10000x128xf32, #tpu.memory_space<hbm>>, %arg3: memref<32x100x100xi32, #tpu.memory_space<hbm>>, %arg4: memref<32x100x100xi32, #tpu.memory_space<hbm>>, %arg5: memref<10112x128xf32, #tpu.memory_space<hbm>>, %arg6: memref<2x10112x128xf32, #tpu.memory_space<hbm>>, %arg7: memref<100x100xi32, #tpu.memory_space<vmem>>, %arg8: memref<100x100xi32, #tpu.memory_space<vmem>>, %arg9: memref<100x128xf32, #tpu.memory_space<vmem>>, %arg10: memref<100x128xf32, #tpu.memory_space<vmem>>, %arg11: memref<10112x128xf32, #tpu.memory_space<vmem_shared>>, %arg12: memref<!tpu.dma_semaphore, #tpu.memory_space<semaphore_mem>>, %arg13: memref<!tpu.dma_semaphore, #tpu.memory_space<semaphore_mem>>) attributes {dimension_semantics = [#tpu.dimension_semantics<core_parallel>, #tpu.dimension_semantics<subcore_parallel>], iteration_bounds = array<i64: 2, 16>, scalar_prefetch = 0 : i64, scratch_operands = 7 : i64, tpu.core_type = #tpu.core_type<sc_vector_subcore>, window_params = [{transform_indices = #map}, {transform_indices = #map1}, {transform_indices = #map1}, {transform_indices = #map}, {transform_indices = #map1}]} {
    %mul3A = arith.constant 16 : i32
    %mul3A_0 = arith.muli %arg0, %mul3A : i32
    %add3A = arith.addi %mul3A_0, %arg1 : i32
    %mul3A_1 = arith.constant 632 : i32
    %mul3A_2 = arith.muli %arg1, %mul3A_1 : i32
    "tpu.region"() ({
      %run_scoped3A_36 = tpu.sem_alloc : memref<!tpu.dma_semaphore, #tpu.memory_space<semaphore_mem>>
      %dma_start3A_37 = arith.constant 0 : i32
      %dma_start3A_38 = arith.constant 0 : i32
      %dma_start3A_39 = tpu.memref_slice %arg3[%add3A, %dma_start3A_37, %dma_start3A_38] : memref<32x100x100xi32, #tpu.memory_space<hbm>> -> memref<1x100x100xi32, #tpu.memory_space<hbm>>
      %dma_start3A_40 = tpu.memref_squeeze %dma_start3A_39 : memref<1x100x100xi32, #tpu.memory_space<hbm>> -> memref<100x100xi32, #tpu.memory_space<hbm>>
      %dma_start3A_41 = arith.constant 0 : i32
      %dma_start3A_42 = arith.constant 0 : i32
      %dma_start3A_43 = tpu.memref_slice %arg3[%add3A, %dma_start3A_41, %dma_start3A_42] : memref<32x100x100xi32, #tpu.memory_space<hbm>> -> memref<1x100x100xi32, #tpu.memory_space<hbm>>
      %dma_start3A_44 = tpu.memref_squeeze %dma_start3A_43 : memref<1x100x100xi32, #tpu.memory_space<hbm>> -> memref<100x100xi32, #tpu.memory_space<hbm>>
      tpu.enqueue_dma source(%dma_start3A_44 : memref<100x100xi32, #tpu.memory_space<hbm>>) target(%arg7 : memref<100x100xi32, #tpu.memory_space<vmem>>) target_semaphore(%run_scoped3A_36 : memref<!tpu.dma_semaphore, #tpu.memory_space<semaphore_mem>>)
      %dma_wait3A_45 = arith.constant 0 : i32
      %dma_wait3A_46 = arith.constant 0 : i32
      %dma_wait3A_47 = tpu.memref_slice %arg3[%add3A, %dma_wait3A_45, %dma_wait3A_46] : memref<32x100x100xi32, #tpu.memory_space<hbm>> -> memref<1x100x100xi32, #tpu.memory_space<hbm>>
      %dma_wait3A_48 = tpu.memref_squeeze %dma_wait3A_47 : memref<1x100x100xi32, #tpu.memory_space<hbm>> -> memref<100x100xi32, #tpu.memory_space<hbm>>
      %dma_wait3A_49 = arith.constant 0 : i32
      %dma_wait3A_50 = arith.constant 0 : i32
      %dma_wait3A_51 = tpu.memref_slice %arg3[%add3A, %dma_wait3A_49, %dma_wait3A_50] : memref<32x100x100xi32, #tpu.memory_space<hbm>> -> memref<1x100x100xi32, #tpu.memory_space<hbm>>
      %dma_wait3A_52 = tpu.memref_squeeze %dma_wait3A_51 : memref<1x100x100xi32, #tpu.memory_space<hbm>> -> memref<100x100xi32, #tpu.memory_space<hbm>>
      tpu.wait_dma2 semaphore(%run_scoped3A_36 : memref<!tpu.dma_semaphore, #tpu.memory_space<semaphore_mem>>) src(%dma_wait3A_52 : memref<100x100xi32, #tpu.memory_space<hbm>>) dst(%arg7 : memref<100x100xi32, #tpu.memory_space<vmem>>)
      tpu.yield
    }) : () -> ()
    "tpu.region"() ({
      %run_scoped3A_36 = tpu.sem_alloc : memref<!tpu.dma_semaphore, #tpu.memory_space<semaphore_mem>>
      %dma_start3A_37 = arith.constant 0 : i32
      %dma_start3A_38 = arith.constant 0 : i32
      %dma_start3A_39 = tpu.memref_slice %arg4[%add3A, %dma_start3A_37, %dma_start3A_38] : memref<32x100x100xi32, #tpu.memory_space<hbm>> -> memref<1x100x100xi32, #tpu.memory_space<hbm>>
      %dma_start3A_40 = tpu.memref_squeeze %dma_start3A_39 : memref<1x100x100xi32, #tpu.memory_space<hbm>> -> memref<100x100xi32, #tpu.memory_space<hbm>>
      %dma_start3A_41 = arith.constant 0 : i32
      %dma_start3A_42 = arith.constant 0 : i32
      %dma_start3A_43 = tpu.memref_slice %arg4[%add3A, %dma_start3A_41, %dma_start3A_42] : memref<32x100x100xi32, #tpu.memory_space<hbm>> -> memref<1x100x100xi32, #tpu.memory_space<hbm>>
      %dma_start3A_44 = tpu.memref_squeeze %dma_start3A_43 : memref<1x100x100xi32, #tpu.memory_space<hbm>> -> memref<100x100xi32, #tpu.memory_space<hbm>>
      tpu.enqueue_dma source(%dma_start3A_44 : memref<100x100xi32, #tpu.memory_space<hbm>>) target(%arg8 : memref<100x100xi32, #tpu.memory_space<vmem>>) target_semaphore(%run_scoped3A_36 : memref<!tpu.dma_semaphore, #tpu.memory_space<semaphore_mem>>)
      %dma_wait3A_45 = arith.constant 0 : i32
      %dma_wait3A_46 = arith.constant 0 : i32
      %dma_wait3A_47 = tpu.memref_slice %arg4[%add3A, %dma_wait3A_45, %dma_wait3A_46] : memref<32x100x100xi32, #tpu.memory_space<hbm>> -> memref<1x100x100xi32, #tpu.memory_space<hbm>>
      %dma_wait3A_48 = tpu.memref_squeeze %dma_wait3A_47 : memref<1x100x100xi32, #tpu.memory_space<hbm>> -> memref<100x100xi32, #tpu.memory_space<hbm>>
      %dma_wait3A_49 = arith.constant 0 : i32
      %dma_wait3A_50 = arith.constant 0 : i32
      %dma_wait3A_51 = tpu.memref_slice %arg4[%add3A, %dma_wait3A_49, %dma_wait3A_50] : memref<32x100x100xi32, #tpu.memory_space<hbm>> -> memref<1x100x100xi32, #tpu.memory_space<hbm>>
      %dma_wait3A_52 = tpu.memref_squeeze %dma_wait3A_51 : memref<1x100x100xi32, #tpu.memory_space<hbm>> -> memref<100x100xi32, #tpu.memory_space<hbm>>
      tpu.wait_dma2 semaphore(%run_scoped3A_36 : memref<!tpu.dma_semaphore, #tpu.memory_space<semaphore_mem>>) src(%dma_wait3A_52 : memref<100x100xi32, #tpu.memory_space<hbm>>) dst(%arg8 : memref<100x100xi32, #tpu.memory_space<vmem>>)
      tpu.yield
    }) : () -> ()
    "tpu.region"() ({
      %run_scoped3A_36 = tpu.sem_alloc : memref<!tpu.dma_semaphore, #tpu.memory_space<semaphore_mem>>
      %dma_start3A_37 = arith.constant 0 : i32
      %dma_start3A_38 = tpu.memref_slice %arg11[%mul3A_2, %dma_start3A_37] : memref<10112x128xf32, #tpu.memory_space<vmem_shared>> -> memref<632x128xf32, #tpu.memory_space<vmem_shared>>
      %dma_start3A_39 = arith.constant 0 : i32
      %dma_start3A_40 = tpu.memref_slice %arg5[%mul3A_2, %dma_start3A_39] : memref<10112x128xf32, #tpu.memory_space<hbm>> -> memref<632x128xf32, #tpu.memory_space<hbm>>
      tpu.enqueue_dma source(%dma_start3A_40 : memref<632x128xf32, #tpu.memory_space<hbm>>) target(%dma_start3A_38 : memref<632x128xf32, #tpu.memory_space<vmem_shared>>) target_semaphore(%run_scoped3A_36 : memref<!tpu.dma_semaphore, #tpu.memory_space<semaphore_mem>>)
      %dma_wait3A_41 = arith.constant 0 : i32
      %dma_wait3A_42 = tpu.memref_slice %arg11[%mul3A_2, %dma_wait3A_41] : memref<10112x128xf32, #tpu.memory_space<vmem_shared>> -> memref<632x128xf32, #tpu.memory_space<vmem_shared>>
      %dma_wait3A_43 = arith.constant 0 : i32
      %dma_wait3A_44 = tpu.memref_slice %arg5[%mul3A_2, %dma_wait3A_43] : memref<10112x128xf32, #tpu.memory_space<hbm>> -> memref<632x128xf32, #tpu.memory_space<hbm>>
      tpu.wait_dma2 semaphore(%run_scoped3A_36 : memref<!tpu.dma_semaphore, #tpu.memory_space<semaphore_mem>>) src(%dma_wait3A_44 : memref<632x128xf32, #tpu.memory_space<hbm>>) dst(%dma_wait3A_42 : memref<632x128xf32, #tpu.memory_space<vmem_shared>>)
      tpu.yield
    }) : () -> ()
    %barrier3A = arith.constant 0 : index
    tpu.barrier barrier_id(%barrier3A)
    %dma_start3A = arith.constant 0 : i32
    %dma_start3A_3 = arith.constant 0 : i32
    %dma_start3A_4 = tpu.memref_slice %arg7[%dma_start3A, %dma_start3A_3] : memref<100x100xi32, #tpu.memory_space<vmem>> -> memref<1x100xi32, #tpu.memory_space<vmem>>
    %dma_start3A_5 = tpu.memref_squeeze %dma_start3A_4 : memref<1x100xi32, #tpu.memory_space<vmem>> -> memref<100xi32, #tpu.memory_space<vmem>>
    %dma_start3A_6 = arith.constant 0 : i32
    %dma_start3A_7 = arith.constant 0 : i32
    %dma_start3A_8 = tpu.memref_slice %arg2[%dma_start3A_6, %dma_start3A_7] : memref<10000x128xf32, #tpu.memory_space<hbm>> -> memref<10000x128xf32, #tpu.memory_space<hbm>>
    tpu.enqueue_indirect_dma source(%dma_start3A_8 : memref<10000x128xf32, #tpu.memory_space<hbm>>) target(%arg9 : memref<100x128xf32, #tpu.memory_space<vmem>>) offsets(%dma_start3A_5 : memref<100xi32, #tpu.memory_space<vmem>>) semaphore(%arg12 : memref<!tpu.dma_semaphore, #tpu.memory_space<semaphore_mem>>)
    %dma_start3A_9 = arith.constant 1 : i32
    %dma_start3A_10 = arith.constant 0 : i32
    %dma_start3A_11 = tpu.memref_slice %arg7[%dma_start3A_9, %dma_start3A_10] : memref<100x100xi32, #tpu.memory_space<vmem>> -> memref<1x100xi32, #tpu.memory_space<vmem>>
    %dma_start3A_12 = tpu.memref_squeeze %dma_start3A_11 : memref<1x100xi32, #tpu.memory_space<vmem>> -> memref<100xi32, #tpu.memory_space<vmem>>
    %dma_start3A_13 = arith.constant 0 : i32
    %dma_start3A_14 = arith.constant 0 : i32
    %dma_start3A_15 = tpu.memref_slice %arg2[%dma_start3A_13, %dma_start3A_14] : memref<10000x128xf32, #tpu.memory_space<hbm>> -> memref<10000x128xf32, #tpu.memory_space<hbm>>
    tpu.enqueue_indirect_dma source(%dma_start3A_15 : memref<10000x128xf32, #tpu.memory_space<hbm>>) target(%arg10 : memref<100x128xf32, #tpu.memory_space<vmem>>) offsets(%dma_start3A_12 : memref<100xi32, #tpu.memory_space<vmem>>) semaphore(%arg13 : memref<!tpu.dma_semaphore, #tpu.memory_space<semaphore_mem>>)
    %scan3A = arith.constant 0 : i32
    %scan3A_16 = arith.constant 0 : i32
    %scan3A_17 = arith.constant 49 : i32
    %scan3A_18 = arith.addi %scan3A_16, %scan3A_17 : i32
    %scan3A_19 = arith.constant 1 : i32
    scf.for %scan3A_36 = %scan3A_16 to %scan3A_18 step %scan3A_19  : i32 {
      %mul3A_37 = arith.constant 2 : i32
      %mul3A_38 = arith.muli %mul3A_37, %scan3A_36 : i32
      %dma_wait3A_39 = arith.constant 0 : i32
      %dma_wait3A_40 = arith.constant 0 : i32
      %dma_wait3A_41 = tpu.memref_slice %arg7[%dma_wait3A_39, %dma_wait3A_40] : memref<100x100xi32, #tpu.memory_space<vmem>> -> memref<1x100xi32, #tpu.memory_space<vmem>>
      %dma_wait3A_42 = tpu.memref_squeeze %dma_wait3A_41 : memref<1x100xi32, #tpu.memory_space<vmem>> -> memref<100xi32, #tpu.memory_space<vmem>>
      %dma_wait3A_43 = arith.constant 0 : i32
      %dma_wait3A_44 = arith.constant 0 : i32
      %dma_wait3A_45 = tpu.memref_slice %arg2[%dma_wait3A_43, %dma_wait3A_44] : memref<10000x128xf32, #tpu.memory_space<hbm>> -> memref<10000x128xf32, #tpu.memory_space<hbm>>
      tpu.wait_indirect_dma semaphore(%arg12 : memref<!tpu.dma_semaphore, #tpu.memory_space<semaphore_mem>>) src(%dma_wait3A_45 : memref<10000x128xf32, #tpu.memory_space<hbm>>) dst(%arg9 : memref<100x128xf32, #tpu.memory_space<vmem>>)
      "tpu.region"() ({
        %run_scoped3A_71 = tpu.sem_alloc : memref<!tpu.dma_semaphore, #tpu.memory_space<semaphore_mem>>
        %dma_start3A_72 = arith.constant 0 : i32
        %dma_start3A_73 = tpu.memref_slice %arg8[%mul3A_38, %dma_start3A_72] : memref<100x100xi32, #tpu.memory_space<vmem>> -> memref<1x100xi32, #tpu.memory_space<vmem>>
        %dma_start3A_74 = tpu.memref_squeeze %dma_start3A_73 : memref<1x100xi32, #tpu.memory_space<vmem>> -> memref<100xi32, #tpu.memory_space<vmem>>
        %dma_start3A_75 = arith.constant 0 : i32
        %dma_start3A_76 = arith.constant 0 : i32
        %dma_start3A_77 = tpu.memref_slice %arg11[%dma_start3A_75, %dma_start3A_76] : memref<10112x128xf32, #tpu.memory_space<vmem_shared>> -> memref<10112x128xf32, #tpu.memory_space<vmem_shared>>
        tpu.enqueue_indirect_dma source(%arg9 : memref<100x128xf32, #tpu.memory_space<vmem>>) target(%dma_start3A_77 : memref<10112x128xf32, #tpu.memory_space<vmem_shared>>) offsets(%dma_start3A_74 : memref<100xi32, #tpu.memory_space<vmem>>) semaphore(%run_scoped3A_71 : memref<!tpu.dma_semaphore, #tpu.memory_space<semaphore_mem>>) {add = true}
        %dma_wait3A_78 = arith.constant 0 : i32
        %dma_wait3A_79 = tpu.memref_slice %arg8[%mul3A_38, %dma_wait3A_78] : memref<100x100xi32, #tpu.memory_space<vmem>> -> memref<1x100xi32, #tpu.memory_space<vmem>>
        %dma_wait3A_80 = tpu.memref_squeeze %dma_wait3A_79 : memref<1x100xi32, #tpu.memory_space<vmem>> -> memref<100xi32, #tpu.memory_space<vmem>>
        %dma_wait3A_81 = arith.constant 0 : i32
        %dma_wait3A_82 = arith.constant 0 : i32
        %dma_wait3A_83 = tpu.memref_slice %arg11[%dma_wait3A_81, %dma_wait3A_82] : memref<10112x128xf32, #tpu.memory_space<vmem_shared>> -> memref<10112x128xf32, #tpu.memory_space<vmem_shared>>
        tpu.wait_indirect_dma semaphore(%run_scoped3A_71 : memref<!tpu.dma_semaphore, #tpu.memory_space<semaphore_mem>>) src(%arg9 : memref<100x128xf32, #tpu.memory_space<vmem>>) dst(%dma_wait3A_83 : memref<10112x128xf32, #tpu.memory_space<vmem_shared>>)
        tpu.yield
      }) : () -> ()
      %add3A_46 = arith.constant 2 : i32
      %add3A_47 = arith.addi %mul3A_38, %add3A_46 : i32
      %dma_start3A_48 = arith.constant 0 : i32
      %dma_start3A_49 = tpu.memref_slice %arg7[%add3A_47, %dma_start3A_48] : memref<100x100xi32, #tpu.memory_space<vmem>> -> memref<1x100xi32, #tpu.memory_space<vmem>>
      %dma_start3A_50 = tpu.memref_squeeze %dma_start3A_49 : memref<1x100xi32, #tpu.memory_space<vmem>> -> memref<100xi32, #tpu.memory_space<vmem>>
      %dma_start3A_51 = arith.constant 0 : i32
      %dma_start3A_52 = arith.constant 0 : i32
      %dma_start3A_53 = tpu.memref_slice %arg2[%dma_start3A_51, %dma_start3A_52] : memref<10000x128xf32, #tpu.memory_space<hbm>> -> memref<10000x128xf32, #tpu.memory_space<hbm>>
      tpu.enqueue_indirect_dma source(%dma_start3A_53 : memref<10000x128xf32, #tpu.memory_space<hbm>>) target(%arg9 : memref<100x128xf32, #tpu.memory_space<vmem>>) offsets(%dma_start3A_50 : memref<100xi32, #tpu.memory_space<vmem>>) semaphore(%arg12 : memref<!tpu.dma_semaphore, #tpu.memory_space<semaphore_mem>>)
      %dma_wait3A_54 = arith.constant 1 : i32
      %dma_wait3A_55 = arith.constant 0 : i32
      %dma_wait3A_56 = tpu.memref_slice %arg7[%dma_wait3A_54, %dma_wait3A_55] : memref<100x100xi32, #tpu.memory_space<vmem>> -> memref<1x100xi32, #tpu.memory_space<vmem>>
      %dma_wait3A_57 = tpu.memref_squeeze %dma_wait3A_56 : memref<1x100xi32, #tpu.memory_space<vmem>> -> memref<100xi32, #tpu.memory_space<vmem>>
      %dma_wait3A_58 = arith.constant 0 : i32
      %dma_wait3A_59 = arith.constant 0 : i32
      %dma_wait3A_60 = tpu.memref_slice %arg2[%dma_wait3A_58, %dma_wait3A_59] : memref<10000x128xf32, #tpu.memory_space<hbm>> -> memref<10000x128xf32, #tpu.memory_space<hbm>>
      tpu.wait_indirect_dma semaphore(%arg13 : memref<!tpu.dma_semaphore, #tpu.memory_space<semaphore_mem>>) src(%dma_wait3A_60 : memref<10000x128xf32, #tpu.memory_space<hbm>>) dst(%arg10 : memref<100x128xf32, #tpu.memory_space<vmem>>)
      %add3A_61 = arith.constant 1 : i32
      %add3A_62 = arith.addi %mul3A_38, %add3A_61 : i32
      "tpu.region"() ({
        %run_scoped3A_71 = tpu.sem_alloc : memref<!tpu.dma_semaphore, #tpu.memory_space<semaphore_mem>>
        %dma_start3A_72 = arith.constant 0 : i32
        %dma_start3A_73 = tpu.memref_slice %arg8[%add3A_62, %dma_start3A_72] : memref<100x100xi32, #tpu.memory_space<vmem>> -> memref<1x100xi32, #tpu.memory_space<vmem>>
        %dma_start3A_74 = tpu.memref_squeeze %dma_start3A_73 : memref<1x100xi32, #tpu.memory_space<vmem>> -> memref<100xi32, #tpu.memory_space<vmem>>
        %dma_start3A_75 = arith.constant 0 : i32
        %dma_start3A_76 = arith.constant 0 : i32
        %dma_start3A_77 = tpu.memref_slice %arg11[%dma_start3A_75, %dma_start3A_76] : memref<10112x128xf32, #tpu.memory_space<vmem_shared>> -> memref<10112x128xf32, #tpu.memory_space<vmem_shared>>
        tpu.enqueue_indirect_dma source(%arg10 : memref<100x128xf32, #tpu.memory_space<vmem>>) target(%dma_start3A_77 : memref<10112x128xf32, #tpu.memory_space<vmem_shared>>) offsets(%dma_start3A_74 : memref<100xi32, #tpu.memory_space<vmem>>) semaphore(%run_scoped3A_71 : memref<!tpu.dma_semaphore, #tpu.memory_space<semaphore_mem>>) {add = true}
        %dma_wait3A_78 = arith.constant 0 : i32
        %dma_wait3A_79 = tpu.memref_slice %arg8[%add3A_62, %dma_wait3A_78] : memref<100x100xi32, #tpu.memory_space<vmem>> -> memref<1x100xi32, #tpu.memory_space<vmem>>
        %dma_wait3A_80 = tpu.memref_squeeze %dma_wait3A_79 : memref<1x100xi32, #tpu.memory_space<vmem>> -> memref<100xi32, #tpu.memory_space<vmem>>
        %dma_wait3A_81 = arith.constant 0 : i32
        %dma_wait3A_82 = arith.constant 0 : i32
        %dma_wait3A_83 = tpu.memref_slice %arg11[%dma_wait3A_81, %dma_wait3A_82] : memref<10112x128xf32, #tpu.memory_space<vmem_shared>> -> memref<10112x128xf32, #tpu.memory_space<vmem_shared>>
        tpu.wait_indirect_dma semaphore(%run_scoped3A_71 : memref<!tpu.dma_semaphore, #tpu.memory_space<semaphore_mem>>) src(%arg10 : memref<100x128xf32, #tpu.memory_space<vmem>>) dst(%dma_wait3A_83 : memref<10112x128xf32, #tpu.memory_space<vmem_shared>>)
        tpu.yield
      }) : () -> ()
      %add3A_63 = arith.constant 3 : i32
      %add3A_64 = arith.addi %mul3A_38, %add3A_63 : i32
      %dma_start3A_65 = arith.constant 0 : i32
      %dma_start3A_66 = tpu.memref_slice %arg7[%add3A_64, %dma_start3A_65] : memref<100x100xi32, #tpu.memory_space<vmem>> -> memref<1x100xi32, #tpu.memory_space<vmem>>
      %dma_start3A_67 = tpu.memref_squeeze %dma_start3A_66 : memref<1x100xi32, #tpu.memory_space<vmem>> -> memref<100xi32, #tpu.memory_space<vmem>>
      %dma_start3A_68 = arith.constant 0 : i32
      %dma_start3A_69 = arith.constant 0 : i32
      %dma_start3A_70 = tpu.memref_slice %arg2[%dma_start3A_68, %dma_start3A_69] : memref<10000x128xf32, #tpu.memory_space<hbm>> -> memref<10000x128xf32, #tpu.memory_space<hbm>>
      tpu.enqueue_indirect_dma source(%dma_start3A_70 : memref<10000x128xf32, #tpu.memory_space<hbm>>) target(%arg10 : memref<100x128xf32, #tpu.memory_space<vmem>>) offsets(%dma_start3A_67 : memref<100xi32, #tpu.memory_space<vmem>>) semaphore(%arg13 : memref<!tpu.dma_semaphore, #tpu.memory_space<semaphore_mem>>)
    }
    %scan3A_20 = arith.constant 49 : i32
    %dma_wait3A = arith.constant 0 : i32
    %dma_wait3A_21 = arith.constant 0 : i32
    %dma_wait3A_22 = tpu.memref_slice %arg7[%dma_wait3A, %dma_wait3A_21] : memref<100x100xi32, #tpu.memory_space<vmem>> -> memref<1x100xi32, #tpu.memory_space<vmem>>
    %dma_wait3A_23 = tpu.memref_squeeze %dma_wait3A_22 : memref<1x100xi32, #tpu.memory_space<vmem>> -> memref<100xi32, #tpu.memory_space<vmem>>
    %dma_wait3A_24 = arith.constant 0 : i32
    %dma_wait3A_25 = arith.constant 0 : i32
    %dma_wait3A_26 = tpu.memref_slice %arg2[%dma_wait3A_24, %dma_wait3A_25] : memref<10000x128xf32, #tpu.memory_space<hbm>> -> memref<10000x128xf32, #tpu.memory_space<hbm>>
    tpu.wait_indirect_dma semaphore(%arg12 : memref<!tpu.dma_semaphore, #tpu.memory_space<semaphore_mem>>) src(%dma_wait3A_26 : memref<10000x128xf32, #tpu.memory_space<hbm>>) dst(%arg9 : memref<100x128xf32, #tpu.memory_space<vmem>>)
    %run_scoped3A = arith.constant 98 : i32
    "tpu.region"() ({
      %run_scoped3A_36 = tpu.sem_alloc : memref<!tpu.dma_semaphore, #tpu.memory_space<semaphore_mem>>
      %dma_start3A_37 = arith.constant 0 : i32
      %dma_start3A_38 = tpu.memref_slice %arg8[%run_scoped3A, %dma_start3A_37] : memref<100x100xi32, #tpu.memory_space<vmem>> -> memref<1x100xi32, #tpu.memory_space<vmem>>
      %dma_start3A_39 = tpu.memref_squeeze %dma_start3A_38 : memref<1x100xi32, #tpu.memory_space<vmem>> -> memref<100xi32, #tpu.memory_space<vmem>>
      %dma_start3A_40 = arith.constant 0 : i32
      %dma_start3A_41 = arith.constant 0 : i32
      %dma_start3A_42 = tpu.memref_slice %arg11[%dma_start3A_40, %dma_start3A_41] : memref<10112x128xf32, #tpu.memory_space<vmem_shared>> -> memref<10112x128xf32, #tpu.memory_space<vmem_shared>>
      tpu.enqueue_indirect_dma source(%arg9 : memref<100x128xf32, #tpu.memory_space<vmem>>) target(%dma_start3A_42 : memref<10112x128xf32, #tpu.memory_space<vmem_shared>>) offsets(%dma_start3A_39 : memref<100xi32, #tpu.memory_space<vmem>>) semaphore(%run_scoped3A_36 : memref<!tpu.dma_semaphore, #tpu.memory_space<semaphore_mem>>) {add = true}
      %dma_wait3A_43 = arith.constant 0 : i32
      %dma_wait3A_44 = tpu.memref_slice %arg8[%run_scoped3A, %dma_wait3A_43] : memref<100x100xi32, #tpu.memory_space<vmem>> -> memref<1x100xi32, #tpu.memory_space<vmem>>
      %dma_wait3A_45 = tpu.memref_squeeze %dma_wait3A_44 : memref<1x100xi32, #tpu.memory_space<vmem>> -> memref<100xi32, #tpu.memory_space<vmem>>
      %dma_wait3A_46 = arith.constant 0 : i32
      %dma_wait3A_47 = arith.constant 0 : i32
      %dma_wait3A_48 = tpu.memref_slice %arg11[%dma_wait3A_46, %dma_wait3A_47] : memref<10112x128xf32, #tpu.memory_space<vmem_shared>> -> memref<10112x128xf32, #tpu.memory_space<vmem_shared>>
      tpu.wait_indirect_dma semaphore(%run_scoped3A_36 : memref<!tpu.dma_semaphore, #tpu.memory_space<semaphore_mem>>) src(%arg9 : memref<100x128xf32, #tpu.memory_space<vmem>>) dst(%dma_wait3A_48 : memref<10112x128xf32, #tpu.memory_space<vmem_shared>>)
      tpu.yield
    }) : () -> ()
    %dma_wait3A_27 = arith.constant 1 : i32
    %dma_wait3A_28 = arith.constant 0 : i32
    %dma_wait3A_29 = tpu.memref_slice %arg7[%dma_wait3A_27, %dma_wait3A_28] : memref<100x100xi32, #tpu.memory_space<vmem>> -> memref<1x100xi32, #tpu.memory_space<vmem>>
    %dma_wait3A_30 = tpu.memref_squeeze %dma_wait3A_29 : memref<1x100xi32, #tpu.memory_space<vmem>> -> memref<100xi32, #tpu.memory_space<vmem>>
    %dma_wait3A_31 = arith.constant 0 : i32
    %dma_wait3A_32 = arith.constant 0 : i32
    %dma_wait3A_33 = tpu.memref_slice %arg2[%dma_wait3A_31, %dma_wait3A_32] : memref<10000x128xf32, #tpu.memory_space<hbm>> -> memref<10000x128xf32, #tpu.memory_space<hbm>>
    tpu.wait_indirect_dma semaphore(%arg13 : memref<!tpu.dma_semaphore, #tpu.memory_space<semaphore_mem>>) src(%dma_wait3A_33 : memref<10000x128xf32, #tpu.memory_space<hbm>>) dst(%arg10 : memref<100x128xf32, #tpu.memory_space<vmem>>)
    %run_scoped3A_34 = arith.constant 99 : i32
    "tpu.region"() ({
      %run_scoped3A_36 = tpu.sem_alloc : memref<!tpu.dma_semaphore, #tpu.memory_space<semaphore_mem>>
      %dma_start3A_37 = arith.constant 0 : i32
      %dma_start3A_38 = tpu.memref_slice %arg8[%run_scoped3A_34, %dma_start3A_37] : memref<100x100xi32, #tpu.memory_space<vmem>> -> memref<1x100xi32, #tpu.memory_space<vmem>>
      %dma_start3A_39 = tpu.memref_squeeze %dma_start3A_38 : memref<1x100xi32, #tpu.memory_space<vmem>> -> memref<100xi32, #tpu.memory_space<vmem>>
      %dma_start3A_40 = arith.constant 0 : i32
      %dma_start3A_41 = arith.constant 0 : i32
      %dma_start3A_42 = tpu.memref_slice %arg11[%dma_start3A_40, %dma_start3A_41] : memref<10112x128xf32, #tpu.memory_space<vmem_shared>> -> memref<10112x128xf32, #tpu.memory_space<vmem_shared>>
      tpu.enqueue_indirect_dma source(%arg10 : memref<100x128xf32, #tpu.memory_space<vmem>>) target(%dma_start3A_42 : memref<10112x128xf32, #tpu.memory_space<vmem_shared>>) offsets(%dma_start3A_39 : memref<100xi32, #tpu.memory_space<vmem>>) semaphore(%run_scoped3A_36 : memref<!tpu.dma_semaphore, #tpu.memory_space<semaphore_mem>>) {add = true}
      %dma_wait3A_43 = arith.constant 0 : i32
      %dma_wait3A_44 = tpu.memref_slice %arg8[%run_scoped3A_34, %dma_wait3A_43] : memref<100x100xi32, #tpu.memory_space<vmem>> -> memref<1x100xi32, #tpu.memory_space<vmem>>
      %dma_wait3A_45 = tpu.memref_squeeze %dma_wait3A_44 : memref<1x100xi32, #tpu.memory_space<vmem>> -> memref<100xi32, #tpu.memory_space<vmem>>
      %dma_wait3A_46 = arith.constant 0 : i32
      %dma_wait3A_47 = arith.constant 0 : i32
      %dma_wait3A_48 = tpu.memref_slice %arg11[%dma_wait3A_46, %dma_wait3A_47] : memref<10112x128xf32, #tpu.memory_space<vmem_shared>> -> memref<10112x128xf32, #tpu.memory_space<vmem_shared>>
      tpu.wait_indirect_dma semaphore(%run_scoped3A_36 : memref<!tpu.dma_semaphore, #tpu.memory_space<semaphore_mem>>) src(%arg10 : memref<100x128xf32, #tpu.memory_space<vmem>>) dst(%dma_wait3A_48 : memref<10112x128xf32, #tpu.memory_space<vmem_shared>>)
      tpu.yield
    }) : () -> ()
    %barrier3A_35 = arith.constant 0 : index
    tpu.barrier barrier_id(%barrier3A_35)
    "tpu.region"() ({
      %run_scoped3A_36 = tpu.sem_alloc : memref<!tpu.dma_semaphore, #tpu.memory_space<semaphore_mem>>
      %dma_start3A_37 = arith.constant 0 : i32
      %dma_start3A_38 = tpu.memref_slice %arg6[%arg0, %mul3A_2, %dma_start3A_37] : memref<2x10112x128xf32, #tpu.memory_space<hbm>> -> memref<1x632x128xf32, #tpu.memory_space<hbm>>
      %dma_start3A_39 = tpu.memref_squeeze %dma_start3A_38 : memref<1x632x128xf32, #tpu.memory_space<hbm>> -> memref<632x128xf32, #tpu.memory_space<hbm>>
      %dma_start3A_40 = arith.constant 0 : i32
      %dma_start3A_41 = tpu.memref_slice %arg11[%mul3A_2, %dma_start3A_40] : memref<10112x128xf32, #tpu.memory_space<vmem_shared>> -> memref<632x128xf32, #tpu.memory_space<vmem_shared>>
      tpu.enqueue_dma source(%dma_start3A_41 : memref<632x128xf32, #tpu.memory_space<vmem_shared>>) target(%dma_start3A_39 : memref<632x128xf32, #tpu.memory_space<hbm>>) target_semaphore(%run_scoped3A_36 : memref<!tpu.dma_semaphore, #tpu.memory_space<semaphore_mem>>)
      %dma_wait3A_42 = arith.constant 0 : i32
      %dma_wait3A_43 = tpu.memref_slice %arg6[%arg0, %mul3A_2, %dma_wait3A_42] : memref<2x10112x128xf32, #tpu.memory_space<hbm>> -> memref<1x632x128xf32, #tpu.memory_space<hbm>>
      %dma_wait3A_44 = tpu.memref_squeeze %dma_wait3A_43 : memref<1x632x128xf32, #tpu.memory_space<hbm>> -> memref<632x128xf32, #tpu.memory_space<hbm>>
      %dma_wait3A_45 = arith.constant 0 : i32
      %dma_wait3A_46 = tpu.memref_slice %arg11[%mul3A_2, %dma_wait3A_45] : memref<10112x128xf32, #tpu.memory_space<vmem_shared>> -> memref<632x128xf32, #tpu.memory_space<vmem_shared>>
      tpu.wait_dma2 semaphore(%run_scoped3A_36 : memref<!tpu.dma_semaphore, #tpu.memory_space<semaphore_mem>>) src(%dma_wait3A_46 : memref<632x128xf32, #tpu.memory_space<vmem_shared>>) dst(%dma_wait3A_44 : memref<632x128xf32, #tpu.memory_space<hbm>>)
      tpu.yield
    }) : () -> ()
    return
  }
}

module attributes {stable_mosaic.version = 14 : i64} {
  func.func @body(%arg0: i32, %arg1: memref<5000x128xf32, #tpu.memory_space<vmem>>, %arg2: memref<128x128xf32, #tpu.memory_space<vmem>>, %arg3: memref<5000x128xf32, #tpu.memory_space<vmem>>) attributes {dimension_semantics = [#tpu.dimension_semantics<arbitrary>], iteration_bounds = array<i64: 2>, scalar_prefetch = 0 : i64, scratch_operands = 0 : i64, tpu.core_type = #tpu.core_type<tc>, window_params = [{transform_indices = @transform_0, window_bounds = array<i64: 5000, 128>}, {pipeline_mode = #tpu.pipeline_mode<synchronous>, transform_indices = @transform_1, window_bounds = array<i64: 128, 128>}, {transform_indices = @transform_2, window_bounds = array<i64: 5000, 128>}]} {
    %get3A = arith.constant 0 : index
    %get3A_0 = arith.constant 0 : index
    %get3A_1 = vector.load %arg1[%get3A, %get3A_0] : memref<5000x128xf32, #tpu.memory_space<vmem>>, vector<5000x128xf32>
    %get3A_2 = arith.constant 0 : index
    %get3A_3 = arith.constant 0 : index
    %get3A_4 = vector.load %arg2[%get3A_2, %get3A_3] : memref<128x128xf32, #tpu.memory_space<vmem>>, vector<128x128xf32>
    %dot_general3A = arith.constant dense<0.000000e+00> : vector<5000x128xf32>
    %dot_general3A_5 = tpu.matmul %get3A_1, %get3A_4, %dot_general3A {dimension_numbers = #tpu.dot_dimension_numbers<[1], [0], [0], [1], [0, 0, 1, 1], [], []>, transpose_lhs_hint = false} : vector<5000x128xf32>, vector<128x128xf32>, vector<5000x128xf32> -> vector<5000x128xf32>
    %swap3A = arith.constant 0 : index
    %swap3A_6 = arith.constant 0 : index
    %swap3A_7 = vector.load %arg3[%swap3A, %swap3A_6] : memref<5000x128xf32, #tpu.memory_space<vmem>>, vector<5000x128xf32>
    tpu.vector_store %arg3[%swap3A, %swap3A_6], %dot_general3A_5 {strides = array<i32>} : memref<5000x128xf32, #tpu.memory_space<vmem>>, vector<5000x128xf32>,
    return
  }
  func.func @transform_0(%arg0: i32) -> (i32, i32) {
    %c0_i32 = arith.constant 0 : i32
    %c0_i32_0 = arith.constant 0 : i32
    return %arg0, %c0_i32 : i32, i32
  }
  func.func @transform_1(%arg0: i32) -> (i32, i32) {
    %c0_i32 = arith.constant 0 : i32
    %c0_i32_0 = arith.constant 0 : i32
    %c0_i32_1 = arith.constant 0 : i32
    return %c0_i32, %c0_i32_0 : i32, i32
  }
  func.func @transform_2(%arg0: i32) -> (i32, i32) {
    %c0_i32 = arith.constant 0 : i32
    %c0_i32_0 = arith.constant 0 : i32
    return %arg0, %c0_i32 : i32, i32
  }
}

module attributes {stable_mosaic.version = 14 : i64} {
  func.func @body(%arg0: i32, %arg1: memref<5000x128xf32, #tpu.memory_space<vmem>>, %arg2: memref<1x128xf32, #tpu.memory_space<vmem>>, %arg3: memref<2x5000x16xf32, #tpu.memory_space<vmem>>, %arg4: memref<5000x128xf32, #tpu.memory_space<vmem>>, %arg5: memref<5000x128xf32, #tpu.memory_space<vmem>>, %arg6: memref<5000x1xf32, #tpu.memory_space<vmem>>) attributes {dimension_semantics = [#tpu.dimension_semantics<arbitrary>], iteration_bounds = array<i64: 2>, scalar_prefetch = 0 : i64, scratch_operands = 0 : i64, tpu.core_type = #tpu.core_type<tc>, window_params = [{transform_indices = @transform_0, window_bounds = array<i64: 5000, 128>}, {pipeline_mode = #tpu.pipeline_mode<synchronous>, transform_indices = @transform_1, window_bounds = array<i64: 1, 128>}, {transform_indices = @transform_2, window_bounds = array<i64: 2, 5000, 16>}, {transform_indices = @transform_3, window_bounds = array<i64: 5000, 128>}, {transform_indices = @transform_4, window_bounds = array<i64: 5000, 128>}, {transform_indices = @transform_5, window_bounds = array<i64: 5000, 1>}]} {
    %get3A = arith.constant 0 : index
    %get3A_0 = arith.constant 0 : index
    %get3A_1 = arith.constant 0 : index
    %get3A_2 = vector.load %arg3[%get3A, %get3A_0, %get3A_1] : memref<2x5000x16xf32, #tpu.memory_space<vmem>>, vector<2x5000x16xf32>
    %slice3A = vector.extract_strided_slice %get3A_2 {offsets = [0, 0, 0], sizes = [1, 5000, 1], strides = [1, 1, 1]} : vector<2x5000x16xf32> to vector<1x5000x1xf32>
    %squeeze3A = vector.shape_cast %slice3A : vector<1x5000x1xf32> to vector<5000x1xf32>
    %slice3A_3 = vector.extract_strided_slice %get3A_2 {offsets = [1, 0, 0], sizes = [1, 5000, 1], strides = [1, 1, 1]} : vector<2x5000x16xf32> to vector<1x5000x1xf32>
    %squeeze3A_4 = vector.shape_cast %slice3A_3 : vector<1x5000x1xf32> to vector<5000x1xf32>
    %add3A = arith.addf %squeeze3A, %squeeze3A_4 : vector<5000x1xf32>
    %add3A_5 = arith.constant 1.000000e+00 : f32
    %add3A_6 = vector.broadcast %add3A_5 : f32 to vector<5000x1xf32>
    %add3A_7 = arith.addf %add3A, %add3A_6 : vector<5000x1xf32>
    %rsqrt3A = math.rsqrt %add3A_7 : vector<5000x1xf32>
    %get3A_8 = arith.constant 0 : index
    %get3A_9 = arith.constant 0 : index
    %get3A_10 = vector.load %arg1[%get3A_8, %get3A_9] : memref<5000x128xf32, #tpu.memory_space<vmem>>, vector<5000x128xf32>
    %mul3A = vector.broadcast %rsqrt3A : vector<5000x1xf32> to vector<5000x128xf32>
    %mul3A_11 = arith.mulf %get3A_10, %mul3A : vector<5000x128xf32>
    %swap3A = arith.constant 0 : index
    %swap3A_12 = arith.constant 0 : index
    %swap3A_13 = vector.load %arg4[%swap3A, %swap3A_12] : memref<5000x128xf32, #tpu.memory_space<vmem>>, vector<5000x128xf32>
    tpu.vector_store %arg4[%swap3A, %swap3A_12], %mul3A_11 {strides = array<i32>} : memref<5000x128xf32, #tpu.memory_space<vmem>>, vector<5000x128xf32>,
    %get3A_14 = arith.constant 0 : index
    %get3A_15 = arith.constant 0 : index
    %get3A_16 = vector.load %arg2[%get3A_14, %get3A_15] : memref<1x128xf32, #tpu.memory_space<vmem>>, vector<1x128xf32>
    %mul3A_17 = arith.mulf %rsqrt3A, %rsqrt3A : vector<5000x1xf32>
    %mul3A_18 = vector.broadcast %mul3A_17 : vector<5000x1xf32> to vector<5000x128xf32>
    %mul3A_19 = arith.mulf %get3A_10, %mul3A_18 : vector<5000x128xf32>
    %add3A_20 = vector.broadcast %get3A_16 : vector<1x128xf32> to vector<5000x128xf32>
    %add3A_21 = arith.addf %add3A_20, %mul3A_19 : vector<5000x128xf32>
    %swap3A_22 = arith.constant 0 : index
    %swap3A_23 = arith.constant 0 : index
    %swap3A_24 = vector.load %arg5[%swap3A_22, %swap3A_23] : memref<5000x128xf32, #tpu.memory_space<vmem>>, vector<5000x128xf32>
    tpu.vector_store %arg5[%swap3A_22, %swap3A_23], %add3A_21 {strides = array<i32>} : memref<5000x128xf32, #tpu.memory_space<vmem>>, vector<5000x128xf32>,
    %swap3A_25 = arith.constant 0 : index
    %swap3A_26 = arith.constant 0 : index
    %swap3A_27 = vector.load %arg6[%swap3A_25, %swap3A_26] : memref<5000x1xf32, #tpu.memory_space<vmem>>, vector<5000x1xf32>
    tpu.vector_store %arg6[%swap3A_25, %swap3A_26], %rsqrt3A {strides = array<i32>} : memref<5000x1xf32, #tpu.memory_space<vmem>>, vector<5000x1xf32>,
    return
  }
  func.func @transform_0(%arg0: i32) -> (i32, i32) {
    %c0_i32 = arith.constant 0 : i32
    %c0_i32_0 = arith.constant 0 : i32
    return %arg0, %c0_i32 : i32, i32
  }
  func.func @transform_1(%arg0: i32) -> (i32, i32) {
    %c0_i32 = arith.constant 0 : i32
    %c0_i32_0 = arith.constant 0 : i32
    %c0_i32_1 = arith.constant 0 : i32
    return %c0_i32, %c0_i32_0 : i32, i32
  }
  func.func @transform_2(%arg0: i32) -> (i32, i32, i32) {
    %c0_i32 = arith.constant 0 : i32
    %c0_i32_0 = arith.constant 0 : i32
    %c0_i32_1 = arith.constant 0 : i32
    return %c0_i32, %arg0, %c0_i32_0 : i32, i32, i32
  }
  func.func @transform_3(%arg0: i32) -> (i32, i32) {
    %c0_i32 = arith.constant 0 : i32
    %c0_i32_0 = arith.constant 0 : i32
    return %arg0, %c0_i32 : i32, i32
  }
  func.func @transform_4(%arg0: i32) -> (i32, i32) {
    %c0_i32 = arith.constant 0 : i32
    %c0_i32_0 = arith.constant 0 : i32
    return %arg0, %c0_i32 : i32, i32
  }
  func.func @transform_5(%arg0: i32) -> (i32, i32) {
    %c0_i32 = arith.constant 0 : i32
    %c0_i32_0 = arith.constant 0 : i32
    return %arg0, %c0_i32 : i32, i32
  }
}

module attributes {stable_mosaic.version = 14 : i64} {
  func.func @body(%arg0: i32, %arg1: memref<2x5000x128xf32, #tpu.memory_space<vmem>>, %arg2: memref<5000x1xf32, #tpu.memory_space<vmem>>, %arg3: memref<5000x128xf32, #tpu.memory_space<vmem>>, %arg4: memref<128x64xf32, #tpu.memory_space<vmem>>, %arg5: memref<1x64xf32, #tpu.memory_space<vmem>>, %arg6: memref<5000x64xf32, #tpu.memory_space<vmem>>, %arg7: memref<5000x64xf32, #tpu.memory_space<vmem>>) attributes {dimension_semantics = [#tpu.dimension_semantics<arbitrary>], iteration_bounds = array<i64: 2>, scalar_prefetch = 0 : i64, scratch_operands = 0 : i64, tpu.core_type = #tpu.core_type<tc>, window_params = [{transform_indices = @transform_0, window_bounds = array<i64: 2, 5000, 128>}, {transform_indices = @transform_1, window_bounds = array<i64: 5000, 1>}, {transform_indices = @transform_2, window_bounds = array<i64: 5000, 128>}, {pipeline_mode = #tpu.pipeline_mode<synchronous>, transform_indices = @transform_3, window_bounds = array<i64: 128, 64>}, {pipeline_mode = #tpu.pipeline_mode<synchronous>, transform_indices = @transform_4, window_bounds = array<i64: 1, 64>}, {transform_indices = @transform_5, window_bounds = array<i64: 5000, 64>}, {transform_indices = @transform_6, window_bounds = array<i64: 5000, 64>}]} {
    %get3A = arith.constant 0 : index
    %get3A_0 = arith.constant 0 : index
    %get3A_1 = arith.constant 0 : index
    %get3A_2 = vector.load %arg1[%get3A, %get3A_0, %get3A_1] : memref<2x5000x128xf32, #tpu.memory_space<vmem>>, vector<2x5000x128xf32>
    %get3A_3 = arith.constant 0 : index
    %get3A_4 = arith.constant 0 : index
    %get3A_5 = vector.load %arg2[%get3A_3, %get3A_4] : memref<5000x1xf32, #tpu.memory_space<vmem>>, vector<5000x1xf32>
    %slice3A = vector.extract_strided_slice %get3A_2 {offsets = [0, 0, 0], sizes = [1, 5000, 128], strides = [1, 1, 1]} : vector<2x5000x128xf32> to vector<1x5000x128xf32>
    %squeeze3A = vector.shape_cast %slice3A : vector<1x5000x128xf32> to vector<5000x128xf32>
    %slice3A_6 = vector.extract_strided_slice %get3A_2 {offsets = [1, 0, 0], sizes = [1, 5000, 128], strides = [1, 1, 1]} : vector<2x5000x128xf32> to vector<1x5000x128xf32>
    %squeeze3A_7 = vector.shape_cast %slice3A_6 : vector<1x5000x128xf32> to vector<5000x128xf32>
    %add3A = arith.addf %squeeze3A, %squeeze3A_7 : vector<5000x128xf32>
    %mul3A = vector.broadcast %get3A_5 : vector<5000x1xf32> to vector<5000x128xf32>
    %mul3A_8 = arith.mulf %add3A, %mul3A : vector<5000x128xf32>
    %get3A_9 = arith.constant 0 : index
    %get3A_10 = arith.constant 0 : index
    %get3A_11 = vector.load %arg3[%get3A_9, %get3A_10] : memref<5000x128xf32, #tpu.memory_space<vmem>>, vector<5000x128xf32>
    %add3A_12 = arith.addf %mul3A_8, %get3A_11 : vector<5000x128xf32>
    %max3A = arith.constant 0.000000e+00 : f32
    %max3A_13 = vector.broadcast %max3A : f32 to vector<5000x128xf32>
    %max3A_14 = arith.maximumf %add3A_12, %max3A_13 : vector<5000x128xf32>
    %get3A_15 = arith.constant 0 : index
    %get3A_16 = arith.constant 0 : index
    %get3A_17 = vector.load %arg4[%get3A_15, %get3A_16] : memref<128x64xf32, #tpu.memory_space<vmem>>, vector<128x64xf32>
    %dot_general3A = arith.constant dense<0.000000e+00> : vector<5000x64xf32>
    %dot_general3A_18 = tpu.matmul %max3A_14, %get3A_17, %dot_general3A {dimension_numbers = #tpu.dot_dimension_numbers<[1], [0], [0], [1], [0, 0, 1, 1], [], []>, transpose_lhs_hint = false} : vector<5000x128xf32>, vector<128x64xf32>, vector<5000x64xf32> -> vector<5000x64xf32>
    %mul3A_19 = vector.broadcast %get3A_5 : vector<5000x1xf32> to vector<5000x64xf32>
    %mul3A_20 = arith.mulf %dot_general3A_18, %mul3A_19 : vector<5000x64xf32>
    %swap3A = arith.constant 0 : index
    %swap3A_21 = arith.constant 0 : index
    %swap3A_22 = vector.load %arg6[%swap3A, %swap3A_21] : memref<5000x64xf32, #tpu.memory_space<vmem>>, vector<5000x64xf32>
    tpu.vector_store %arg6[%swap3A, %swap3A_21], %mul3A_20 {strides = array<i32>} : memref<5000x64xf32, #tpu.memory_space<vmem>>, vector<5000x64xf32>,
    %get3A_23 = arith.constant 0 : index
    %get3A_24 = arith.constant 0 : index
    %get3A_25 = vector.load %arg5[%get3A_23, %get3A_24] : memref<1x64xf32, #tpu.memory_space<vmem>>, vector<1x64xf32>
    %mul3A_26 = arith.mulf %get3A_5, %get3A_5 : vector<5000x1xf32>
    %mul3A_27 = vector.broadcast %mul3A_26 : vector<5000x1xf32> to vector<5000x64xf32>
    %mul3A_28 = arith.mulf %dot_general3A_18, %mul3A_27 : vector<5000x64xf32>
    %add3A_29 = vector.broadcast %get3A_25 : vector<1x64xf32> to vector<5000x64xf32>
    %add3A_30 = arith.addf %add3A_29, %mul3A_28 : vector<5000x64xf32>
    %swap3A_31 = arith.constant 0 : index
    %swap3A_32 = arith.constant 0 : index
    %swap3A_33 = vector.load %arg7[%swap3A_31, %swap3A_32] : memref<5000x64xf32, #tpu.memory_space<vmem>>, vector<5000x64xf32>
    tpu.vector_store %arg7[%swap3A_31, %swap3A_32], %add3A_30 {strides = array<i32>} : memref<5000x64xf32, #tpu.memory_space<vmem>>, vector<5000x64xf32>,
    return
  }
  func.func @transform_0(%arg0: i32) -> (i32, i32, i32) {
    %c0_i32 = arith.constant 0 : i32
    %c0_i32_0 = arith.constant 0 : i32
    %c0_i32_1 = arith.constant 0 : i32
    return %c0_i32, %arg0, %c0_i32_0 : i32, i32, i32
  }
  func.func @transform_1(%arg0: i32) -> (i32, i32) {
    %c0_i32 = arith.constant 0 : i32
    %c0_i32_0 = arith.constant 0 : i32
    return %arg0, %c0_i32 : i32, i32
  }
  func.func @transform_2(%arg0: i32) -> (i32, i32) {
    %c0_i32 = arith.constant 0 : i32
    %c0_i32_0 = arith.constant 0 : i32
    return %arg0, %c0_i32 : i32, i32
  }
  func.func @transform_3(%arg0: i32) -> (i32, i32) {
    %c0_i32 = arith.constant 0 : i32
    %c0_i32_0 = arith.constant 0 : i32
    %c0_i32_1 = arith.constant 0 : i32
    return %c0_i32, %c0_i32_0 : i32, i32
  }
  func.func @transform_4(%arg0: i32) -> (i32, i32) {
    %c0_i32 = arith.constant 0 : i32
    %c0_i32_0 = arith.constant 0 : i32
    %c0_i32_1 = arith.constant 0 : i32
    return %c0_i32, %c0_i32_0 : i32, i32
  }
  func.func @transform_5(%arg0: i32) -> (i32, i32) {
    %c0_i32 = arith.constant 0 : i32
    %c0_i32_0 = arith.constant 0 : i32
    return %arg0, %c0_i32 : i32, i32
  }
  func.func @transform_6(%arg0: i32) -> (i32, i32) {
    %c0_i32 = arith.constant 0 : i32
    %c0_i32_0 = arith.constant 0 : i32
    return %arg0, %c0_i32 : i32, i32
  }
}

module attributes {stable_mosaic.version = 14 : i64} {
  func.func @body(%arg0: i32, %arg1: memref<2x5000x64xf32, #tpu.memory_space<vmem>>, %arg2: memref<5000x1xf32, #tpu.memory_space<vmem>>, %arg3: memref<5000x64xf32, #tpu.memory_space<vmem>>, %arg4: memref<5000x64xf32, #tpu.memory_space<vmem>>) attributes {dimension_semantics = [#tpu.dimension_semantics<arbitrary>], iteration_bounds = array<i64: 2>, scalar_prefetch = 0 : i64, scratch_operands = 0 : i64, tpu.core_type = #tpu.core_type<tc>, window_params = [{transform_indices = @transform_0, window_bounds = array<i64: 2, 5000, 64>}, {transform_indices = @transform_1, window_bounds = array<i64: 5000, 1>}, {transform_indices = @transform_2, window_bounds = array<i64: 5000, 64>}, {transform_indices = @transform_3, window_bounds = array<i64: 5000, 64>}]} {
    %get3A = arith.constant 0 : index
    %get3A_0 = arith.constant 0 : index
    %get3A_1 = arith.constant 0 : index
    %get3A_2 = vector.load %arg1[%get3A, %get3A_0, %get3A_1] : memref<2x5000x64xf32, #tpu.memory_space<vmem>>, vector<2x5000x64xf32>
    %slice3A = vector.extract_strided_slice %get3A_2 {offsets = [0, 0, 0], sizes = [1, 5000, 64], strides = [1, 1, 1]} : vector<2x5000x64xf32> to vector<1x5000x64xf32>
    %squeeze3A = vector.shape_cast %slice3A : vector<1x5000x64xf32> to vector<5000x64xf32>
    %slice3A_3 = vector.extract_strided_slice %get3A_2 {offsets = [1, 0, 0], sizes = [1, 5000, 64], strides = [1, 1, 1]} : vector<2x5000x64xf32> to vector<1x5000x64xf32>
    %squeeze3A_4 = vector.shape_cast %slice3A_3 : vector<1x5000x64xf32> to vector<5000x64xf32>
    %add3A = arith.addf %squeeze3A, %squeeze3A_4 : vector<5000x64xf32>
    %get3A_5 = arith.constant 0 : index
    %get3A_6 = arith.constant 0 : index
    %get3A_7 = vector.load %arg2[%get3A_5, %get3A_6] : memref<5000x1xf32, #tpu.memory_space<vmem>>, vector<5000x1xf32>
    %mul3A = vector.broadcast %get3A_7 : vector<5000x1xf32> to vector<5000x64xf32>
    %mul3A_8 = arith.mulf %add3A, %mul3A : vector<5000x64xf32>
    %get3A_9 = arith.constant 0 : index
    %get3A_10 = arith.constant 0 : index
    %get3A_11 = vector.load %arg3[%get3A_9, %get3A_10] : memref<5000x64xf32, #tpu.memory_space<vmem>>, vector<5000x64xf32>
    %add3A_12 = arith.addf %mul3A_8, %get3A_11 : vector<5000x64xf32>
    %swap3A = arith.constant 0 : index
    %swap3A_13 = arith.constant 0 : index
    %swap3A_14 = vector.load %arg4[%swap3A, %swap3A_13] : memref<5000x64xf32, #tpu.memory_space<vmem>>, vector<5000x64xf32>
    tpu.vector_store %arg4[%swap3A, %swap3A_13], %add3A_12 {strides = array<i32>} : memref<5000x64xf32, #tpu.memory_space<vmem>>, vector<5000x64xf32>,
    return
  }
  func.func @transform_0(%arg0: i32) -> (i32, i32, i32) {
    %c0_i32 = arith.constant 0 : i32
    %c0_i32_0 = arith.constant 0 : i32
    %c0_i32_1 = arith.constant 0 : i32
    return %c0_i32, %arg0, %c0_i32_0 : i32, i32, i32
  }
  func.func @transform_1(%arg0: i32) -> (i32, i32) {
    %c0_i32 = arith.constant 0 : i32
    %c0_i32_0 = arith.constant 0 : i32
    return %arg0, %c0_i32 : i32, i32
  }
  func.func @transform_2(%arg0: i32) -> (i32, i32) {
    %c0_i32 = arith.constant 0 : i32
    %c0_i32_0 = arith.constant 0 : i32
    return %arg0, %c0_i32 : i32, i32
  }
  func.func @transform_3(%arg0: i32) -> (i32, i32) {
    %c0_i32 = arith.constant 0 : i32
    %c0_i32_0 = arith.constant 0 : i32
    return %arg0, %c0_i32 : i32, i32
  }
}

</mosaic_0001>

<sc_bundles>
// kernel: kernel.12.cloned.1.call-start
scs
__scs_entry_jumppad:
0x0: {  	(pc) =	sbr.rel $0x88, $3  }
0x1: {  	(tag) =	ssettag $0x0;
	lr =	simm.s32 $0x1  }
0x2: {  	[smem:$0x3F9B] =	sst lr;
	_ =	strace $0xD0000000  }
0x3: {  	_ = 	snop  }
0x4: {  	_ = 	snop  }
0x5: {  	_ = 	snop  }
0x6: {  	_ = 	snop  }
0x7: {  	_ = 	snop  }
__scs_overlays_trampoline_lowered:
0x8: {  	[smem:$0x3FAA] =	sst s0  }
0x9: {  	[smem:$0x3FAB] =	sst s1  }
0xa: {  	[smem:$0x3FAC] =	sst s2  }
0xb: {  	[smem:$0x3FAD] =	sst s3  }
0xc: {  	[smem:$0x3FAE] =	sst s4  }
0xd: {  	[smem:$0x3FAF] =	sst s5  }
0xe: {  	[smem:$0x3FB0] =	sst s6  }
0xf: {  	[smem:$0x3FB1] =	sst s7  }
0x10: {  	[smem:$0x3FB2] =	sst s8  }
0x11: {  	[smem:$0x3FB3] =	sst s9;
	s0 =	simm.s32 @!p0 $0x0  }
0x12: {  	s1 =	sld [smem:$0x3F99];
	s0 =	simm.s32 @p0 $0x1  }
0x13: {  	[smem:$0x3FB4] =	sst s0;
	s0 =	simm.s32 @!p1 $0x0  }
0x14: {  	s2 =	sld [smem:$0x3F98];
	s0 =	simm.s32 @p1 $0x1  }
0x15: {  	[smem:$0x3FB5] =	sst s0;
	s0 =	simm.s32 @!p2 $0x0  }
0x16: {  	s3 =	sld [smem:$0x3FDB];
	s0 =	simm.s32 @p2 $0x1  }
0x17: {  	s4 =	simm.s32 $0x1BF5;
	[smem:$0x3FB7] =	sst s0  }
0x18: {  	s0 =	sld [smem:$0x3F9A];
	_ =	swait.ge [sflag:s4], $0x0  }
0x19: {  	s7 =	sld [smem:$0x3F9B]  }
0x1a: {  	s8 =	sadd.s32 $0xFFFFE003, lr  }
0x1b: {  	s9 =	sadd.s32 $0xFFFFFEF7, lr;
	s5 =	simm.s32 $0xFFFFFFFF;
	p2 =	slt.u32 s8, $0xFFFFF086  }
0x1c: {  	p1 =	slt.u32 s9, $0xF7A;
	s5 =	simm.s32 @!p2 $0x0  }
0x1d: {  	s5 =	simm.s32 @p1 $0x1;
	p0 =	seq.s32 s7, s2  }
0x1e: {  	s7 =	smul.u32 @!p0 $0xF7A, s2;
	p2 =	seq.s32 @!p0 s5, $0x0  }
0x1f: {  	s9 =	smul.u32 $0xF7A, s1;
	s8 =	simm.s32 @!p0 $0x1BF5;
	p2 =	por !p2, p0  }
0x20: {  	[sflag:s8] =	ssyncset.s32 @!p0 $0xFFFFF086;
	s6 =	sadd.s32 @!p0 s3, s7;
	s7 =	simm.s32 @!p0 $0x108  }
0x21: {  	s3 =	sadd.s32 s3, s9;
	s6 =	sadd.s32 @!p0 $0x88, s6;
	s7 =	simm.s32 @p2 $0x1082  }
0x22: {  	[simem:s7], [sflag:s8] =	dma.local @!p0 [hbm:s6], $0xF7A  }
0x23: {  	s9 =	sor.u32 $0xD0000000, s2;
	s6 =	simm.s32 $0x108;
	_ =	swait.ge @!p0 [sflag:s8], $0x0  }
0x24: {  	s3 =	sadd.s32 $0x88, s3;
	s6 =	simm.s32 @!p1 $0x1082;
	[sflag:s4] =	ssyncset.s32 $0xFFFFF086  }
0x25: {  	[simem:s6], [sflag:s4] =	dma.local [hbm:s3], $0xF7A  }
0x26: {  	[smem:$0x3F9B] =	sst s1;
	(tag) =	ssettag s2;
	_ =	strace s9  }
0x27: {  	s1 =	sld [smem:$0x3FAB]  }
0x28: {  	s2 =	sld [smem:$0x3FAC]  }
0x29: {  	s4 =	sld [smem:$0x3FAE]  }
0x2a: {  	p0 =	seq.s32 s5, $0x0;
	s5 =	sld [smem:$0x3FAF]  }
0x2b: {  	s6 =	sld [smem:$0x3FB0]  }
0x2c: {  	s7 =	sld [smem:$0x3FB1]  }
0x2d: {  	s3 =	simm.s32 $0x108;
	s8 =	sld [smem:$0x3FB2]  }
0x2e: {  	s3 =	simm.s32 @!p0 $0x1082;
	s9 =	sld [smem:$0x3FB3]  }
0x2f: {  	lr =	sadd.s32 s0, s3;
	s0 =	sld [smem:$0x3FAA]  }
0x30: {  	s3 =	sld [smem:$0x3FAD]  }
0x31: {  	[smem:$0x3FB6] =	sst s10  }
0x32: {  	s10 =	sld [smem:$0x3FB4];
	_ =	sdelay $0x3  }
0x33: {  	p0 =	seq.s32 s10, $0x1;
	s10 =	sld [smem:$0x3FB6];
	_ =	sdelay $0x3  }
0x34: {  	[smem:$0x3FB6] =	sst s10  }
0x35: {  	s10 =	sld [smem:$0x3FB5];
	_ =	sdelay $0x3  }
0x36: {  	p1 =	seq.s32 s10, $0x1;
	s10 =	sld [smem:$0x3FB6];
	_ =	sdelay $0x3  }
0x37: {  	[smem:$0x3FB6] =	sst s10  }
0x38: {  	s10 =	sld [smem:$0x3FB7]  }
0x39: {  	_ = 	snop;
	(pc) =	sbr.ind lr, $3  }
0x3a: {  	_ = 	snop  }
0x3b: {  	_ = 	snop  }
0x3c: {  	p2 =	seq.s32 s10, $0x1;
	s10 =	sld [smem:$0x3FB6]  }
0x3d: {  	_ =	shalt  }
0x3e: {  	_ =	shalt  }
0x3f: {  	_ =	shalt  }
0x40: {  	_ =	shalt  }
0x41: {  	_ =	shalt  }
0x42: {  	_ =	shalt  }
0x43: {  	_ =	shalt  }
0x44: {  	_ =	shalt  }
0x45: {  	_ =	shalt  }
0x46: {  	_ =	shalt  }
0x47: {  	_ =	shalt  }
0x48: {  	_ =	shalt  }
0x49: {  	_ =	shalt  }
0x4a: {  	_ =	shalt  }
0x4b: {  	_ =	shalt  }
0x4c: {  	_ =	shalt  }
0x4d: {  	_ =	shalt  }
0x4e: {  	_ =	shalt  }
0x4f: {  	_ =	shalt  }
0x50: {  	_ =	shalt  }
0x51: {  	_ =	shalt  }
0x52: {  	_ =	shalt  }
0x53: {  	_ =	shalt  }
0x54: {  	_ =	shalt  }
0x55: {  	_ =	shalt  }
0x56: {  	_ =	shalt  }
0x57: {  	_ =	shalt  }
0x58: {  	_ =	shalt  }
0x59: {  	_ =	shalt  }
0x5a: {  	_ =	shalt  }
0x5b: {  	_ =	shalt  }
0x5c: {  	_ =	shalt  }
0x5d: {  	_ =	shalt  }
0x5e: {  	_ =	shalt  }
0x5f: {  	_ =	shalt  }
0x60: {  	_ =	shalt  }
0x61: {  	_ =	shalt  }
0x62: {  	_ =	shalt  }
0x63: {  	_ =	shalt  }
0x64: {  	_ =	shalt  }
0x65: {  	_ =	shalt  }
0x66: {  	_ =	shalt  }
0x67: {  	_ =	shalt  }
0x68: {  	_ =	shalt  }
0x69: {  	_ =	shalt  }
0x6a: {  	_ =	shalt  }
0x6b: {  	_ =	shalt  }
0x6c: {  	_ =	shalt  }
0x6d: {  	_ =	shalt  }
0x6e: {  	_ =	shalt  }
0x6f: {  	_ =	shalt  }
0x70: {  	_ =	shalt  }
0x71: {  	_ =	shalt  }
0x72: {  	_ =	shalt  }
0x73: {  	_ =	shalt  }
0x74: {  	_ =	shalt  }
0x75: {  	_ =	shalt  }
0x76: {  	_ =	shalt  }
0x77: {  	_ =	shalt  }
0x78: {  	_ =	shalt  }
0x79: {  	_ =	shalt  }
0x7a: {  	_ =	shalt  }
0x7b: {  	_ =	shalt  }
0x7c: {  	_ =	shalt  }
0x7d: {  	_ =	shalt  }
0x7e: {  	_ =	shalt  }
0x7f: {  	_ =	shalt  }
0x80: {  	_ =	shalt  }
0x81: {  	_ =	shalt  }
0x82: {  	_ =	shalt  }
0x83: {  	_ =	shalt  }
0x84: {  	_ =	shalt  }
0x85: {  	_ =	shalt  }
0x86: {  	_ =	shalt  }
0x87: {  	_ =	shalt  }
.Lfunc_end0:
.L_simem_size_0:
called_computation.1_lowered:
.L_overlay_start_0:
0x88: {  	s2 =	sld [smem:$0x3FD9]  }
0x89: {  	s3 =	sld [smem:$0x3FFE];
	_ =	sdelay $0x1  }
0x8a: {  	s1 =	srdreg.scid  }
0x8b: {  	s0 =	sand.u32 $0x1, s1  }
0x8c: {  	s16 =	sshll.u32 s0, $0xA;
	s2 =	sadd.s32 s3, s2  }
0x8d: {  	s2 =	sadd.s32 s2, s16  }
0x8e: {  	[smem:$0x3FC2] =	sst s2  }
0x8f: {  	_ = 	snop  }
0x90: {  	(tm) =	ssettm $0x1  }
0x91: {  	s17 =	sld [smem:$0x3FFB];
	_ =	sdelay $0x3  }
0x92: {  	_ =	strace s17  }
0x93: {  	s2 =	sld [smem:$0x3FFC];
	_ =	sdelay $0x3  }
0x94: {  	_ =	strace s2  }
0x95: {  	s2 =	sld [smem:$0x3FFD];
	_ =	sdelay $0x3  }
0x96: {  	_ =	strace s2  }
0x97: {  	_ =	strace $0x8FFFFFFF  }
0x98: {  	s18 =	sld [smem:$0x3FDB];
	_ =	sdelay $0x1  }
0x99: {  	s19 =	simm.s32 $_scs_section_size  }
0x9a: {  	s4 =	simm.s32 $_size__tile_overlayer_lowered;
	s5 =	simm.s32 $_tile_overlayer_lowered  }
0x9b: {  	s22 =	simm.s32 $0x1BFF;
	s21 =	sshll.u32 s5, $0x1;
	s2 =	sadd.s32 s19, s18  }
0x9c: {  	s6 =	simm.s32 $0x0;
	s20 =	sshll.u32 s4, $0x1;
	s4 =	sadd.s32 s21, s2  }
0x9d: {  	[timem:s6], [sflag:s22] =	dma.local [hbm:s4], s20  }
0x9e: {  	_ =	swait.ge [sflag:s22], s20  }
0x9f: {  	s3 =	ssub.s32 $0x0, s20;
	[sflag:s22] =	ssyncset.done $0x0  }
0xa0: {  	[sflag:s22] =	ssyncadd.s32 s3;
	_ =	sdelay $0x1  }
0xa1: {  	s23 =	simm.s32 $0x1B8B  }
0xa2: {  	_ =	swait.ge [sflag:s23], $0x1  }
0xa3: {  	[sflag:s23] =	ssyncset.done $0x0  }
0xa4: {  	s25 =	simm.s32 $0x1B8E;
	s24 =	sld [smem:$0x3FFE];
	[sflag:s23] =	ssyncadd.s32 $0xFFFFFFFF  }
0xa5: {  	s26 =	simm.s32 $execute0_lowered;
	[smem:$0x3FD2] =	sst s25  }
0xa6: {  	s4 =	sshll.u32 s26, $0x1;
	_ =	strace $0x80000049;
	[dreg:$0x1] =	wrdreg $0xFFFFFFFF  }
0xa7: {  	s28 =	simm.s32 $_size_execute0_lowered;
	s2 =	sadd.s32 s2, s4;
	[dreg:$0x0] =	wrdreg $0x0  }
0xa8: {  	s4 =	sshll.u32 s28, $0x1;
	[dreg:$0x2] =	wrdreg s2  }
0xa9: {  	[dreg:$0x3] =	wrdreg s4  }
0xaa: {  	[dreg:$0x4] =	wrdreg $0xC0  }
0xab: {  	_ =	task [dreg:s6], $0x5FFFF  }
0xac: {  	[dreg:$0x1] =	wrdreg $0xFFFFFFFF  }
0xad: {  	[dreg:$0x0] =	wrdreg $0x60  }
0xae: {  	[dreg:$0x2] =	wrdreg s24  }
0xaf: {  	[dreg:$0x3] =	wrdreg $0xB5400  }
0xb0: {  	[dreg:$0x4] =	wrdreg $0x9  }
0xb1: {  	_ =	task.clear_ibuf [dreg:s6], $0x5FFFF;
	_ =	strace $0x90000049  }
0xb2: {  	s29 =	simm.s32 $0x9;
	_ =	strace $0x8000004B  }
0xb3: {  	_ =	swait.ge [sflag:s29], $0x1  }
0xb4: {  	[sflag:s29] =	ssyncadd.s32 $0xFFFFFFFF  }
0xb5: {  	_ =	strace $0x9000004B  }
0xb6: {  	_ =	sfence  }
0xb7: {  	s30 =	sld [smem:$0x0];
	_ =	sdelay $0x2  }
0xb8: {  	s31 =	sshll.u32 s1, $0xD;
	s1 =	sshrl.u32 s1, $0x2  }
0xb9: {  	s3 =	sand.u32 $0x4000, s31;
	s1 =	sadd.s32 s1, s30  }
0xba: {  	s0 =	sor.u32 s3, s0;
	s1 =	sshll.u32 s1, $0x11  }
0xbb: {  	s0 =	sor.u32 s1, s0  }
0xbc: {  	s0 =	sadd.s32 $0x8F2B, s0  }
0xbd: {  	[sflag:s0] =	ssyncadd.remote.s32 $0x1  }
0xbe: {  	_ =	sfence.sel $0xFFFF  }
0xbf: {  	[dreg:$0x0] =	wrdreg $0xFFFFFFFF;
	(pc) =	sbr.abs _section_cstart, $3  }
0xc0: {  	[dreg:$0x1] =	wrdreg $0xFFFFFFFF  }
0xc1: {  	_ =	task.clear_ibuf [dreg:s6], $0x2FFFF;
	_ =	strace $0x9FFFFFFF  }
0xc2: {  	(tm) =	ssettm $0x7FFFFFFF  }
0xc3: {  	_ =	shalt  }
tec
execute0_lowered:
.L_overlay_start_1:
0x0: {  	(tag) =	ssettag $0x1  }
0x1: {  	s0 =	srdreg.scid;
	s6 =	rddreg [dreg:$0x0]  }
0x2: {  	s2 =	rddreg [dreg:$0x1];
	s3 =	simm.s32 $0x0;
	s14 =	simm.s32 $0x64  }
0x3: {  	s15 =	simm.s32 $0x5140;
	s16 =	simm.s32 $0x68;
	s17 =	simm.s32 $0x8340  }
0x4: {  	s18 =	simm.s32 $0x1;
	s19 =	simm.s32 $0x2;
	s20 =	simm.s32 $0x5070  }
0x5: {  	s21 =	simm.s32 $0x50D8;
	s5 =	sand.u32 $0x1, s0;
	s0 =	stileid.u32  }
0x6: {  	s22 =	simm.s32 $0x0;
	[smem:$0x7FF] =	sst s3;
	s8 =	smul.u32 $0x13C00, s0  }
0x7: {  	s4 =	sadd.s32 $0x1B400, s6;
	s1 =	sshll.u32 s5, $0x4;
	s9 =	smul.u32 $0x13C000, s5  }
0x8: {  	s5 =	ssub.s32 $0x2, s5;
	s12 =	sshll.u32 s0, $0x6;
	s1 =	sor.u32 s0, s1  }
0x9: {  	s31 =	sshrl.u32 s5, $0x1;
	s12 =	sor.u32 $0x1C03, s12;
	s7 =	smul.u32 $0x514, s1  }
0xa: {  	s1 =	rddreg [dreg:$0x2];
	_ =	strace $0x8000004A;
	s9 =	sadd.s32 s8, s9  }
0xb: {  	s10 =	sshrl.u32 s8, $0x3;
	s11 =	ssub.s32 s5, s31;
	s13 =	sadd.s32 s8, s2  }
0xc: {  	s9 =	sshrl.u32 s9, $0x3;
	s10 =	sadd.s32 s10, s6;
	s7 =	sadd.s32 s7, s6  }
0xd: {  	s13 =	sshrl.u32 s13, $0x3;
	s9 =	sadd.s32 s9, s6;
	s5 =	sadd.s32 $0x11000, s7  }
0xe: {  	s6 =	sadd.s32 $0x1A00, s7;
	s7 =	sadd.s32 $0x42600, s10;
	s8 =	sadd.s32 $0x69E00, s9  }
0xf: {  	s9 =	smax.u32 s11, $0x1;
	s10 =	simm.s32 $0x3;
	s11 =	simm.s32 $0x28A0  }
.LBB2_1:
0x10: {  	[tilespmem:s3], [sflag:$0x3] =	stream.linear.gather [hbm4b:s5+s3], $0x28A0, $0x38;
	[tilespmem:$0x1F140] =	vst v63  }
0x11: {  	_ =	swait.ge [sflag:s10], $0x28A0  }
0x12: {  	[sflag:s10] =	ssyncset.done $0x0  }
0x13: {  	[sflag:s10] =	ssyncadd.s32 $0xFFFFD760  }
0x14: {  	[tilespmem:s11], [sflag:$0x3] =	stream.linear.gather [hbm4b:s6+s3], $0x28A0, $0x38;
	[tilespmem:$0x1F140] =	vst v63  }
0x15: {  	_ =	swait.ge [sflag:s10], $0x28A0  }
0x16: {  	[sflag:s10] =	ssyncset.done $0x0  }
0x17: {  	[sflag:s10] =	ssyncadd.s32 $0xFFFFD760  }
0x18: {  	[spmem:s13], [sflag:s12] =	dma.local [hbm:s7], $0x2780  }
0x19: {  	_ =	swait.ge [sflag:s10], $0x2780  }
0x1a: {  	[sflag:s10] =	ssyncset.done $0x0  }
0x1b: {  	[sflag:s10] =	ssyncadd.s32 $0xFFFFD880  }
0x1c: {  	[bflag:$0x0] =	sbarrier.arrive $0xFFFF  }
0x1d: {  	[tilespmem:s15], [sflag:$0x1] =	stream.indirect.gather [hbm4b:s4+s14], $0x80, s3, s14, $0xb8;
	[tilespmem:$0x1F140] =	vst v63  }
0x1e: {  	_ = 	snop  }
0x1f: {  	[tilespmem:s17], [sflag:$0x2] =	stream.indirect.gather [hbm4b:s4+s14], $0x80, s16, s14, $0xb8;
	[tilespmem:$0x1F140] =	vst v63  }
0x20: {  	_ =	swait.ge [sflag:s18], $0x3200  }
0x21: {  	[sflag:s18] =	ssyncset.done $0x0  }
0x22: {  	s23 =	simm.s32 $0x28A0;
	[sflag:s18] =	ssyncadd.s32 $0xFFFFCE00  }
0x23: {  	[spmem:s2] =	stream.indirect.scatter.add.f32 [tilespmem:s15], [sflag:$0x3], $0x80, s23, s14, $0xb8;
	[tilespmem:$0x1F140] =	vst v63  }
0x24: {  	_ =	swait.ge [sflag:s10], $0x3200  }
0x25: {  	[sflag:s10] =	ssyncset.done $0x0  }
0x26: {  	s30 =	simm.s32 $0xD0;
	[sflag:s10] =	ssyncadd.s32 $0xFFFFCE00  }
0x27: {  	[tilespmem:s15], [sflag:$0x1] =	stream.indirect.gather [hbm4b:s4+s14], $0x80, s30, s14, $0xb8;
	[tilespmem:$0x1F140] =	vst v63  }
0x28: {  	_ =	swait.ge [sflag:s19], $0x3200  }
0x29: {  	[sflag:s19] =	ssyncset.done $0x0  }
0x2a: {  	s31 =	simm.s32 $0x2908;
	[sflag:s19] =	ssyncadd.s32 $0xFFFFCE00  }
0x2b: {  	[spmem:s2] =	stream.indirect.scatter.add.f32 [tilespmem:s17], [sflag:$0x3], $0x80, s31, s14, $0xb8;
	[tilespmem:$0x1F140] =	vst v63  }
0x2c: {  	_ =	swait.ge [sflag:s10], $0x3200  }
0x2d: {  	[sflag:s10] =	ssyncset.done $0x0  }
0x2e: {  	s24 =	simm.s32 $0x138;
	s23 =	simm.s32 $0x340;
	[sflag:s10] =	ssyncadd.s32 $0xFFFFCE00  }
.LBB2_2:
0x2f: {  	[tilespmem:s17], [sflag:$0x2] =	stream.indirect.gather [hbm4b:s4+s14], $0x80, s24, s14, $0xb8;
	[tilespmem:$0x1F140] =	vst v63  }
0x30: {  	s24 =	smov.u32 s23  }
0x31: {  	p0 =	sne.s32 s23, $0x9C00;
	s23 =	sadd.s32 $0x340, s23;
	_ =	swait.ge [sflag:s18], $0x3200  }
0x32: {  	s24 =	sshra.s32 s24, $0x2;
	[sflag:s18] =	ssyncset.done $0x0  }
0x33: {  	s25 =	sadd.s32 $0x28A0, s24;
	[sflag:s18] =	ssyncadd.s32 $0xFFFFCE00  }
0x34: {  	[spmem:s2] =	stream.indirect.scatter.add.f32 [tilespmem:s15], [sflag:$0x3], $0x80, s25, s14, $0xb8;
	[tilespmem:$0x1F140] =	vst v63  }
0x35: {  	_ =	swait.ge [sflag:s10], $0x3200  }
0x36: {  	[sflag:s10] =	ssyncset.done $0x0  }
0x37: {  	s25 =	sadd.s32 $0xD0, s24;
	[sflag:s10] =	ssyncadd.s32 $0xFFFFCE00  }
0x38: {  	[tilespmem:s15], [sflag:$0x1] =	stream.indirect.gather [hbm4b:s4+s14], $0x80, s25, s14, $0xb8;
	[tilespmem:$0x1F140] =	vst v63  }
0x39: {  	_ =	swait.ge [sflag:s19], $0x3200  }
0x3a: {  	[sflag:s19] =	ssyncset.done $0x0  }
.Ltmp0:
0x3b: {  	s25 =	sadd.s32 $0x2908, s24;
	[sflag:s19] =	ssyncadd.s32 $0xFFFFCE00;
	(pc) =	sbr.rel @p0 .LBB2_2-.Ltmp0, $4  }
0x3c: {  	[spmem:s2] =	stream.indirect.scatter.add.f32 [tilespmem:s17], [sflag:$0x3], $0x80, s25, s14, $0xb8;
	[tilespmem:$0x1F140] =	vst v63  }
0x3d: {  	_ =	swait.ge [sflag:s10], $0x3200  }
0x3e: {  	[sflag:s10] =	ssyncset.done $0x0  }
0x3f: {  	s24 =	sadd.s32 $0x138, s24;
	[sflag:s10] =	ssyncadd.s32 $0xFFFFCE00  }
0x40: {  	[tilespmem:s17], [sflag:$0x2] =	stream.indirect.gather [hbm4b:s4+s14], $0x80, s24, s14, $0xb8;
	[tilespmem:$0x1F140] =	vst v63  }
0x41: {  	_ =	swait.ge [sflag:s18], $0x3200  }
0x42: {  	[sflag:s18] =	ssyncset.done $0x0  }
0x43: {  	[sflag:s18] =	ssyncadd.s32 $0xFFFFCE00  }
0x44: {  	[spmem:s2] =	stream.indirect.scatter.add.f32 [tilespmem:s15], [sflag:$0x3], $0x80, s20, s14, $0xb8;
	[tilespmem:$0x1F140] =	vst v63  }
0x45: {  	_ =	swait.ge [sflag:s10], $0x3200  }
0x46: {  	[sflag:s10] =	ssyncset.done $0x0  }
0x47: {  	[sflag:s10] =	ssyncadd.s32 $0xFFFFCE00  }
0x48: {  	_ =	swait.ge [sflag:s19], $0x3200  }
0x49: {  	[sflag:s19] =	ssyncset.done $0x0  }
0x4a: {  	[sflag:s19] =	ssyncadd.s32 $0xFFFFCE00  }
0x4b: {  	[spmem:s2] =	stream.indirect.scatter.add.f32 [tilespmem:s17], [sflag:$0x3], $0x80, s21, s14, $0xb8;
	[tilespmem:$0x1F140] =	vst v63  }
0x4c: {  	_ =	swait.ge [sflag:s10], $0x3200  }
0x4d: {  	s22 =	sadd.s32 $0x1, s22;
	[sflag:s10] =	ssyncset.done $0x0  }
0x4e: {  	p0 =	sne.s32 s22, s9;
	[sflag:s10] =	ssyncadd.s32 $0xFFFFCE00  }
.Ltmp1:
0x4f: {  	[bflag:$0x0] =	sbarrier.arrive $0xFFFF;
	(pc) =	sbr.rel @p0 .LBB2_1-.Ltmp1, $4  }
0x50: {  	[hbm:s8], [sflag:s12] =	dma.local [spmem:s13], $0x2780  }
0x51: {  	_ =	swait.ge [sflag:s10], $0x2780  }
0x52: {  	[sflag:s10] =	ssyncset.done $0x0  }
0x53: {  	[sflag:s10] =	ssyncadd.s32 $0xFFFFD880  }
0x54: {  	_ =	sfence.sel $0x180000  }
0x55: {  	[bflag:$0x0] =	sbarrier.arrive $0xFFFF  }
0x56: {  	p0 =	sne.s32 s0, $0x0;
	_ =	strace $0x9000004A  }
0x57: {  	s0 =	sadd.s32 @!p0 $0x100000, s1;
	[bflag:$0x2] =	sbarrier.arrive $0xFFFF  }
0x58: {  	[sflag:s0] =	ssyncadd.tile.s32 @!p0 $0x1;
	_ =	shalt  }
.Lfunc_end2:
_tile_overlayer_lowered:
.L_overlay_start_2:
0x59: {  	(tag) =	ssettag $0x2  }
0x5a: {  	s0 =	rddreg [dreg:$0x0];
	s2 =	stileid.u32  }
0x5b: {  	s1 =	rddreg [dreg:$0x1];
	p0 =	sne.s32 s2, $0x0  }
0x5c: {  	s3 =	rddreg [dreg:$0x2];
	[bflag:$0x3] =	sbarrier.arrive $0xFFFF;
	s2 =	simm.s32 @!p0 $0x1C03  }
0x5d: {  	[timem:s3], [sflag:s2] =	dma.local @!p0 [hbm:s0], s1  }
0x5e: {  	s0 =	simm.s32 @!p0 $0x3  }
0x5f: {  	_ =	swait.ge @!p0 [sflag:s0], s1  }
0x60: {  	s1 =	ssub.s32 @!p0 $0x0, s1;
	[sflag:s0] =	ssyncset.done @!p0 $0x0  }
0x61: {  	[sflag:s0] =	ssyncadd.s32 @!p0 s1  }
0x62: {  	[bflag:$0x3] =	sbarrier.arrive $0xFFFF  }
0x63: {  	_ =	shalt  }

// kernel: kernel.15.cloned.1.call-start
scs
__scs_entry_jumppad:
0x0: {  	(pc) =	sbr.rel $0x88, $3  }
0x1: {  	(tag) =	ssettag $0x0;
	lr =	simm.s32 $0x1  }
0x2: {  	[smem:$0x3F9B] =	sst lr;
	_ =	strace $0xD0000000  }
0x3: {  	_ = 	snop  }
0x4: {  	_ = 	snop  }
0x5: {  	_ = 	snop  }
0x6: {  	_ = 	snop  }
0x7: {  	_ = 	snop  }
__scs_overlays_trampoline_lowered:
0x8: {  	[smem:$0x3FAA] =	sst s0  }
0x9: {  	[smem:$0x3FAB] =	sst s1  }
0xa: {  	[smem:$0x3FAC] =	sst s2  }
0xb: {  	[smem:$0x3FAD] =	sst s3  }
0xc: {  	[smem:$0x3FAE] =	sst s4  }
0xd: {  	[smem:$0x3FAF] =	sst s5  }
0xe: {  	[smem:$0x3FB0] =	sst s6  }
0xf: {  	[smem:$0x3FB1] =	sst s7  }
0x10: {  	[smem:$0x3FB2] =	sst s8  }
0x11: {  	[smem:$0x3FB3] =	sst s9;
	s0 =	simm.s32 @!p0 $0x0  }
0x12: {  	s1 =	sld [smem:$0x3F99];
	s0 =	simm.s32 @p0 $0x1  }
0x13: {  	[smem:$0x3FB4] =	sst s0;
	s0 =	simm.s32 @!p1 $0x0  }
0x14: {  	s2 =	sld [smem:$0x3F98];
	s0 =	simm.s32 @p1 $0x1  }
0x15: {  	[smem:$0x3FB5] =	sst s0;
	s0 =	simm.s32 @!p2 $0x0  }
0x16: {  	s3 =	sld [smem:$0x3FDB];
	s0 =	simm.s32 @p2 $0x1  }
0x17: {  	s4 =	simm.s32 $0x1BF5;
	[smem:$0x3FB7] =	sst s0  }
0x18: {  	s0 =	sld [smem:$0x3F9A];
	_ =	swait.ge [sflag:s4], $0x0  }
0x19: {  	s7 =	sld [smem:$0x3F9B]  }
0x1a: {  	s8 =	sadd.s32 $0xFFFFE003, lr  }
0x1b: {  	s9 =	sadd.s32 $0xFFFFFEF7, lr;
	s5 =	simm.s32 $0xFFFFFFFF;
	p2 =	slt.u32 s8, $0xFFFFF086  }
0x1c: {  	p1 =	slt.u32 s9, $0xF7A;
	s5 =	simm.s32 @!p2 $0x0  }
0x1d: {  	s5 =	simm.s32 @p1 $0x1;
	p0 =	seq.s32 s7, s2  }
0x1e: {  	s7 =	smul.u32 @!p0 $0xF7A, s2;
	p2 =	seq.s32 @!p0 s5, $0x0  }
0x1f: {  	s9 =	smul.u32 $0xF7A, s1;
	s8 =	simm.s32 @!p0 $0x1BF5;
	p2 =	por !p2, p0  }
0x20: {  	[sflag:s8] =	ssyncset.s32 @!p0 $0xFFFFF086;
	s6 =	sadd.s32 @!p0 s3, s7;
	s7 =	simm.s32 @!p0 $0x108  }
0x21: {  	s3 =	sadd.s32 s3, s9;
	s6 =	sadd.s32 @!p0 $0x88, s6;
	s7 =	simm.s32 @p2 $0x1082  }
0x22: {  	[simem:s7], [sflag:s8] =	dma.local @!p0 [hbm:s6], $0xF7A  }
0x23: {  	s9 =	sor.u32 $0xD0000000, s2;
	s6 =	simm.s32 $0x108;
	_ =	swait.ge @!p0 [sflag:s8], $0x0  }
0x24: {  	s3 =	sadd.s32 $0x88, s3;
	s6 =	simm.s32 @!p1 $0x1082;
	[sflag:s4] =	ssyncset.s32 $0xFFFFF086  }
0x25: {  	[simem:s6], [sflag:s4] =	dma.local [hbm:s3], $0xF7A  }
0x26: {  	[smem:$0x3F9B] =	sst s1;
	(tag) =	ssettag s2;
	_ =	strace s9  }
0x27: {  	s1 =	sld [smem:$0x3FAB]  }
0x28: {  	s2 =	sld [smem:$0x3FAC]  }
0x29: {  	s4 =	sld [smem:$0x3FAE]  }
0x2a: {  	p0 =	seq.s32 s5, $0x0;
	s5 =	sld [smem:$0x3FAF]  }
0x2b: {  	s6 =	sld [smem:$0x3FB0]  }
0x2c: {  	s7 =	sld [smem:$0x3FB1]  }
0x2d: {  	s3 =	simm.s32 $0x108;
	s8 =	sld [smem:$0x3FB2]  }
0x2e: {  	s3 =	simm.s32 @!p0 $0x1082;
	s9 =	sld [smem:$0x3FB3]  }
0x2f: {  	lr =	sadd.s32 s0, s3;
	s0 =	sld [smem:$0x3FAA]  }
0x30: {  	s3 =	sld [smem:$0x3FAD]  }
0x31: {  	[smem:$0x3FB6] =	sst s10  }
0x32: {  	s10 =	sld [smem:$0x3FB4];
	_ =	sdelay $0x3  }
0x33: {  	p0 =	seq.s32 s10, $0x1;
	s10 =	sld [smem:$0x3FB6];
	_ =	sdelay $0x3  }
0x34: {  	[smem:$0x3FB6] =	sst s10  }
0x35: {  	s10 =	sld [smem:$0x3FB5];
	_ =	sdelay $0x3  }
0x36: {  	p1 =	seq.s32 s10, $0x1;
	s10 =	sld [smem:$0x3FB6];
	_ =	sdelay $0x3  }
0x37: {  	[smem:$0x3FB6] =	sst s10  }
0x38: {  	s10 =	sld [smem:$0x3FB7]  }
0x39: {  	_ = 	snop;
	(pc) =	sbr.ind lr, $3  }
0x3a: {  	_ = 	snop  }
0x3b: {  	_ = 	snop  }
0x3c: {  	p2 =	seq.s32 s10, $0x1;
	s10 =	sld [smem:$0x3FB6]  }
0x3d: {  	_ =	shalt  }
0x3e: {  	_ =	shalt  }
0x3f: {  	_ =	shalt  }
0x40: {  	_ =	shalt  }
0x41: {  	_ =	shalt  }
0x42: {  	_ =	shalt  }
0x43: {  	_ =	shalt  }
0x44: {  	_ =	shalt  }
0x45: {  	_ =	shalt  }
0x46: {  	_ =	shalt  }
0x47: {  	_ =	shalt  }
0x48: {  	_ =	shalt  }
0x49: {  	_ =	shalt  }
0x4a: {  	_ =	shalt  }
0x4b: {  	_ =	shalt  }
0x4c: {  	_ =	shalt  }
0x4d: {  	_ =	shalt  }
0x4e: {  	_ =	shalt  }
0x4f: {  	_ =	shalt  }
0x50: {  	_ =	shalt  }
0x51: {  	_ =	shalt  }
0x52: {  	_ =	shalt  }
0x53: {  	_ =	shalt  }
0x54: {  	_ =	shalt  }
0x55: {  	_ =	shalt  }
0x56: {  	_ =	shalt  }
0x57: {  	_ =	shalt  }
0x58: {  	_ =	shalt  }
0x59: {  	_ =	shalt  }
0x5a: {  	_ =	shalt  }
0x5b: {  	_ =	shalt  }
0x5c: {  	_ =	shalt  }
0x5d: {  	_ =	shalt  }
0x5e: {  	_ =	shalt  }
0x5f: {  	_ =	shalt  }
0x60: {  	_ =	shalt  }
0x61: {  	_ =	shalt  }
0x62: {  	_ =	shalt  }
0x63: {  	_ =	shalt  }
0x64: {  	_ =	shalt  }
0x65: {  	_ =	shalt  }
0x66: {  	_ =	shalt  }
0x67: {  	_ =	shalt  }
0x68: {  	_ =	shalt  }
0x69: {  	_ =	shalt  }
0x6a: {  	_ =	shalt  }
0x6b: {  	_ =	shalt  }
0x6c: {  	_ =	shalt  }
0x6d: {  	_ =	shalt  }
0x6e: {  	_ =	shalt  }
0x6f: {  	_ =	shalt  }
0x70: {  	_ =	shalt  }
0x71: {  	_ =	shalt  }
0x72: {  	_ =	shalt  }
0x73: {  	_ =	shalt  }
0x74: {  	_ =	shalt  }
0x75: {  	_ =	shalt  }
0x76: {  	_ =	shalt  }
0x77: {  	_ =	shalt  }
0x78: {  	_ =	shalt  }
0x79: {  	_ =	shalt  }
0x7a: {  	_ =	shalt  }
0x7b: {  	_ =	shalt  }
0x7c: {  	_ =	shalt  }
0x7d: {  	_ =	shalt  }
0x7e: {  	_ =	shalt  }
0x7f: {  	_ =	shalt  }
0x80: {  	_ =	shalt  }
0x81: {  	_ =	shalt  }
0x82: {  	_ =	shalt  }
0x83: {  	_ =	shalt  }
0x84: {  	_ =	shalt  }
0x85: {  	_ =	shalt  }
0x86: {  	_ =	shalt  }
0x87: {  	_ =	shalt  }
.Lfunc_end0:
.L_simem_size_0:
called_computation.2_lowered:
.L_overlay_start_0:
0x88: {  	s2 =	sld [smem:$0x3FD9]  }
0x89: {  	s3 =	sld [smem:$0x3FFE];
	_ =	sdelay $0x1  }
0x8a: {  	s1 =	srdreg.scid  }
0x8b: {  	s0 =	sand.u32 $0x1, s1  }
0x8c: {  	s17 =	sshll.u32 s0, $0xA;
	s2 =	sadd.s32 s3, s2  }
0x8d: {  	s2 =	sadd.s32 s2, s17  }
0x8e: {  	[smem:$0x3FC2] =	sst s2  }
0x8f: {  	_ = 	snop  }
0x90: {  	s2 =	sld [smem:$0x3FD0];
	(tm) =	ssettm $0x1  }
0x91: {  	s18 =	sld [smem:$0x3FFB];
	_ =	sdelay $0x3  }
0x92: {  	_ =	strace s18  }
0x93: {  	s3 =	sld [smem:$0x3FFC];
	_ =	sdelay $0x3  }
0x94: {  	_ =	strace s3  }
0x95: {  	s3 =	sld [smem:$0x3FFD];
	_ =	sdelay $0x3  }
0x96: {  	_ =	strace s3  }
0x97: {  	_ =	strace $0x8FFFFFFF  }
0x98: {  	s19 =	sld [smem:$0x3FDB];
	_ =	sdelay $0x1  }
0x99: {  	s4 =	simm.s32 $_scs_section_size  }
0x9a: {  	s5 =	simm.s32 $_size__tile_overlayer_lowered;
	s6 =	simm.s32 $_tile_overlayer_lowered  }
0x9b: {  	s22 =	simm.s32 $0x1BFF;
	s21 =	sshll.u32 s6, $0x1;
	s3 =	sadd.s32 s4, s19  }
0x9c: {  	s7 =	simm.s32 $0x0;
	s20 =	sshll.u32 s5, $0x1;
	s5 =	sadd.s32 s21, s3  }
0x9d: {  	[timem:s7], [sflag:s22] =	dma.local [hbm:s5], s20  }
0x9e: {  	_ =	swait.ge [sflag:s22], s20  }
0x9f: {  	s4 =	ssub.s32 $0x0, s20;
	[sflag:s22] =	ssyncset.done $0x0  }
0xa0: {  	[sflag:s22] =	ssyncadd.s32 s4;
	_ =	sdelay $0x1  }
0xa1: {  	s23 =	simm.s32 $0x1B8B  }
0xa2: {  	_ =	swait.ge [sflag:s23], $0x1  }
0xa3: {  	[sflag:s23] =	ssyncset.done $0x0  }
0xa4: {  	s25 =	simm.s32 $0x1B8E;
	s24 =	sld [smem:$0x3FFE];
	[sflag:s23] =	ssyncadd.s32 $0xFFFFFFFF  }
0xa5: {  	s26 =	simm.s32 $execute0_lowered;
	[smem:$0x3FD2] =	sst s25  }
0xa6: {  	s5 =	sshll.u32 s26, $0x1;
	_ =	strace $0x8000004C;
	[dreg:$0x1] =	wrdreg $0xFFFFFFFF  }
0xa7: {  	s28 =	simm.s32 $_size_execute0_lowered;
	s3 =	sadd.s32 s3, s5;
	[dreg:$0x0] =	wrdreg $0x0  }
0xa8: {  	s5 =	sshll.u32 s28, $0x1;
	[dreg:$0x2] =	wrdreg s3  }
0xa9: {  	[dreg:$0x3] =	wrdreg s5  }
0xaa: {  	[dreg:$0x4] =	wrdreg $0xC0  }
0xab: {  	_ =	task [dreg:s7], $0x5FFFF  }
0xac: {  	[dreg:$0x1] =	wrdreg $0xFFFFFFFF  }
0xad: {  	[dreg:$0x0] =	wrdreg $0x60  }
0xae: {  	[dreg:$0x2] =	wrdreg s24  }
0xaf: {  	[dreg:$0x3] =	wrdreg s2  }
0xb0: {  	[dreg:$0x4] =	wrdreg $0x83400  }
0xb1: {  	[dreg:$0x5] =	wrdreg $0x9  }
0xb2: {  	_ =	task.clear_ibuf [dreg:s7], $0x6FFFF;
	_ =	strace $0x9000004C  }
0xb3: {  	s29 =	simm.s32 $0x9;
	_ =	strace $0x8000004E  }
0xb4: {  	_ =	swait.ge [sflag:s29], $0x1  }
0xb5: {  	[sflag:s29] =	ssyncadd.s32 $0xFFFFFFFF  }
0xb6: {  	_ =	strace $0x9000004E  }
0xb7: {  	_ =	sfence  }
0xb8: {  	s30 =	sld [smem:$0x0];
	_ =	sdelay $0x2  }
0xb9: {  	s31 =	sshll.u32 s1, $0xD;
	s1 =	sshrl.u32 s1, $0x2  }
0xba: {  	s3 =	sand.u32 $0x4000, s31;
	s1 =	sadd.s32 s1, s30  }
0xbb: {  	s0 =	sor.u32 s3, s0;
	s1 =	sshll.u32 s1, $0x11  }
0xbc: {  	s0 =	sor.u32 s1, s0  }
0xbd: {  	s0 =	sadd.s32 $0x8F2B, s0  }
0xbe: {  	[sflag:s0] =	ssyncadd.remote.s32 $0x1  }
0xbf: {  	_ =	sfence.sel $0xFFFF  }
0xc0: {  	[dreg:$0x0] =	wrdreg $0xFFFFFFFF;
	(pc) =	sbr.abs _section_cstart, $3  }
0xc1: {  	[dreg:$0x1] =	wrdreg $0xFFFFFFFF  }
0xc2: {  	_ =	task.clear_ibuf [dreg:s7], $0x2FFFF;
	_ =	strace $0x9FFFFFFF  }
0xc3: {  	(tm) =	ssettm $0x7FFFFFFF  }
tec
execute0_lowered:
.L_overlay_start_1:
0x0: {  	(tag) =	ssettag $0x1  }
0x1: {  	s5 =	rddreg [dreg:$0x0]  }
0x2: {  	s7 =	rddreg [dreg:$0x1]  }
0x3: {  	s2 =	rddreg [dreg:$0x2]  }
0x4: {  	s0 =	rddreg [dreg:$0x3];
	s4 =	srdreg.scid  }
0x5: {  	s1 =	stileid.u32;
	s3 =	simm.s32 $0x0;
	s14 =	simm.s32 $0x64  }
0x6: {  	s15 =	simm.s32 $0x5140;
	s16 =	simm.s32 $0x68;
	s17 =	simm.s32 $0x6A40  }
0x7: {  	s18 =	simm.s32 $0x1;
	s19 =	simm.s32 $0x2;
	s20 =	simm.s32 $0x5070  }
0x8: {  	s21 =	simm.s32 $0x50D8;
	s22 =	simm.s32 $0x0;
	s4 =	sand.u32 $0x1, s4  }
0x9: {  	s8 =	smul.u32 $0x9E00, s1;
	[smem:$0x7FF] =	sst s3;
	s12 =	sshll.u32 s1, $0x6  }
0xa: {  	s6 =	sshll.u32 s4, $0x4;
	s9 =	smul.u32 $0x9E000, s4;
	_ =	strace $0x8000004D  }
0xb: {  	s10 =	ssub.s32 $0x2, s4;
	s4 =	sadd.s32 $0x1B400, s5;
	s12 =	sor.u32 $0x1C03, s12  }
0xc: {  	s6 =	sor.u32 s1, s6;
	s11 =	sshrl.u32 s10, $0x1;
	s31 =	sshrl.u32 s8, $0x3  }
0xd: {  	s13 =	sadd.s32 s8, s2;
	s6 =	smul.u32 $0x514, s6;
	s9 =	sadd.s32 s8, s9  }
0xe: {  	s10 =	ssub.s32 s10, s11;
	s7 =	sadd.s32 s7, s31;
	s11 =	simm.s32 $0x28A0  }
0xf: {  	s13 =	sshrl.u32 s13, $0x3;
	s9 =	sshrl.u32 s9, $0x3;
	s6 =	sadd.s32 s6, s5  }
0x10: {  	s9 =	sadd.s32 s9, s5;
	s5 =	sadd.s32 $0x11000, s6;
	s6 =	sadd.s32 $0x1A00, s6  }
0x11: {  	s8 =	sadd.s32 $0x2EE00, s9;
	s9 =	smax.u32 s10, $0x1;
	s10 =	simm.s32 $0x3  }
.LBB2_1:
0x12: {  	[tilespmem:s3], [sflag:$0x3] =	stream.linear.gather [hbm4b:s5+s3], $0x28A0, $0x38;
	[tilespmem:$0x12140] =	vst v63  }
0x13: {  	_ =	swait.ge [sflag:s10], $0x28A0  }
0x14: {  	[sflag:s10] =	ssyncset.done $0x0  }
0x15: {  	[sflag:s10] =	ssyncadd.s32 $0xFFFFD760  }
0x16: {  	[tilespmem:s11], [sflag:$0x3] =	stream.linear.gather [hbm4b:s6+s3], $0x28A0, $0x38;
	[tilespmem:$0x12140] =	vst v63  }
0x17: {  	_ =	swait.ge [sflag:s10], $0x28A0  }
0x18: {  	[sflag:s10] =	ssyncset.done $0x0  }
0x19: {  	[sflag:s10] =	ssyncadd.s32 $0xFFFFD760  }
0x1a: {  	[spmem:s13], [sflag:s12] =	dma.local [hbm:s7], $0x13C0  }
0x1b: {  	_ =	swait.ge [sflag:s10], $0x13C0  }
0x1c: {  	[sflag:s10] =	ssyncset.done $0x0  }
0x1d: {  	[sflag:s10] =	ssyncadd.s32 $0xFFFFEC40  }
0x1e: {  	[bflag:$0x0] =	sbarrier.arrive $0xFFFF  }
0x1f: {  	[tilespmem:s15], [sflag:$0x1] =	stream.indirect.gather [hbm4b:s4+s14], $0x40, s3, s14, $0xb8;
	[tilespmem:$0x12140] =	vst v63  }
0x20: {  	_ = 	snop  }
0x21: {  	[tilespmem:s17], [sflag:$0x2] =	stream.indirect.gather [hbm4b:s4+s14], $0x40, s16, s14, $0xb8;
	[tilespmem:$0x12140] =	vst v63  }
0x22: {  	_ =	swait.ge [sflag:s18], $0x1900  }
0x23: {  	[sflag:s18] =	ssyncset.done $0x0  }
0x24: {  	s23 =	simm.s32 $0x28A0;
	[sflag:s18] =	ssyncadd.s32 $0xFFFFE700  }
0x25: {  	[spmem:s2] =	stream.indirect.scatter.add.f32 [tilespmem:s15], [sflag:$0x3], $0x40, s23, s14, $0xb8;
	[tilespmem:$0x12140] =	vst v63  }
0x26: {  	_ =	swait.ge [sflag:s10], $0x1900  }
0x27: {  	[sflag:s10] =	ssyncset.done $0x0  }
0x28: {  	s30 =	simm.s32 $0xD0;
	[sflag:s10] =	ssyncadd.s32 $0xFFFFE700  }
0x29: {  	[tilespmem:s15], [sflag:$0x1] =	stream.indirect.gather [hbm4b:s4+s14], $0x40, s30, s14, $0xb8;
	[tilespmem:$0x12140] =	vst v63  }
0x2a: {  	_ =	swait.ge [sflag:s19], $0x1900  }
0x2b: {  	[sflag:s19] =	ssyncset.done $0x0  }
0x2c: {  	s31 =	simm.s32 $0x2908;
	[sflag:s19] =	ssyncadd.s32 $0xFFFFE700  }
0x2d: {  	[spmem:s2] =	stream.indirect.scatter.add.f32 [tilespmem:s17], [sflag:$0x3], $0x40, s31, s14, $0xb8;
	[tilespmem:$0x12140] =	vst v63  }
0x2e: {  	_ =	swait.ge [sflag:s10], $0x1900  }
0x2f: {  	[sflag:s10] =	ssyncset.done $0x0  }
0x30: {  	s24 =	simm.s32 $0x138;
	s23 =	simm.s32 $0x340;
	[sflag:s10] =	ssyncadd.s32 $0xFFFFE700  }
.LBB2_2:
0x31: {  	[tilespmem:s17], [sflag:$0x2] =	stream.indirect.gather [hbm4b:s4+s14], $0x40, s24, s14, $0xb8;
	[tilespmem:$0x12140] =	vst v63  }
0x32: {  	s24 =	smov.u32 s23  }
0x33: {  	p0 =	sne.s32 s23, $0x9C00;
	s23 =	sadd.s32 $0x340, s23;
	_ =	swait.ge [sflag:s18], $0x1900  }
0x34: {  	s24 =	sshra.s32 s24, $0x2;
	[sflag:s18] =	ssyncset.done $0x0  }
0x35: {  	s25 =	sadd.s32 $0x28A0, s24;
	[sflag:s18] =	ssyncadd.s32 $0xFFFFE700  }
0x36: {  	[spmem:s2] =	stream.indirect.scatter.add.f32 [tilespmem:s15], [sflag:$0x3], $0x40, s25, s14, $0xb8;
	[tilespmem:$0x12140] =	vst v63  }
0x37: {  	_ =	swait.ge [sflag:s10], $0x1900  }
0x38: {  	[sflag:s10] =	ssyncset.done $0x0  }
0x39: {  	s25 =	sadd.s32 $0xD0, s24;
	[sflag:s10] =	ssyncadd.s32 $0xFFFFE700  }
0x3a: {  	[tilespmem:s15], [sflag:$0x1] =	stream.indirect.gather [hbm4b:s4+s14], $0x40, s25, s14, $0xb8;
	[tilespmem:$0x12140] =	vst v63  }
0x3b: {  	_ =	swait.ge [sflag:s19], $0x1900  }
0x3c: {  	[sflag:s19] =	ssyncset.done $0x0  }
.Ltmp0:
0x3d: {  	s25 =	sadd.s32 $0x2908, s24;
	[sflag:s19] =	ssyncadd.s32 $0xFFFFE700;
	(pc) =	sbr.rel @p0 .LBB2_2-.Ltmp0, $4  }
0x3e: {  	[spmem:s2] =	stream.indirect.scatter.add.f32 [tilespmem:s17], [sflag:$0x3], $0x40, s25, s14, $0xb8;
	[tilespmem:$0x12140] =	vst v63  }
0x3f: {  	_ =	swait.ge [sflag:s10], $0x1900  }
0x40: {  	[sflag:s10] =	ssyncset.done $0x0  }
0x41: {  	s24 =	sadd.s32 $0x138, s24;
	[sflag:s10] =	ssyncadd.s32 $0xFFFFE700  }
0x42: {  	[tilespmem:s17], [sflag:$0x2] =	stream.indirect.gather [hbm4b:s4+s14], $0x40, s24, s14, $0xb8;
	[tilespmem:$0x12140] =	vst v63  }
0x43: {  	_ =	swait.ge [sflag:s18], $0x1900  }
0x44: {  	[sflag:s18] =	ssyncset.done $0x0  }
0x45: {  	[sflag:s18] =	ssyncadd.s32 $0xFFFFE700  }
0x46: {  	[spmem:s2] =	stream.indirect.scatter.add.f32 [tilespmem:s15], [sflag:$0x3], $0x40, s20, s14, $0xb8;
	[tilespmem:$0x12140] =	vst v63  }
0x47: {  	_ =	swait.ge [sflag:s10], $0x1900  }
0x48: {  	[sflag:s10] =	ssyncset.done $0x0  }
0x49: {  	[sflag:s10] =	ssyncadd.s32 $0xFFFFE700  }
0x4a: {  	_ =	swait.ge [sflag:s19], $0x1900  }
0x4b: {  	[sflag:s19] =	ssyncset.done $0x0  }
0x4c: {  	[sflag:s19] =	ssyncadd.s32 $0xFFFFE700  }
0x4d: {  	[spmem:s2] =	stream.indirect.scatter.add.f32 [tilespmem:s17], [sflag:$0x3], $0x40, s21, s14, $0xb8;
	[tilespmem:$0x12140] =	vst v63  }
0x4e: {  	_ =	swait.ge [sflag:s10], $0x1900  }
0x4f: {  	s22 =	sadd.s32 $0x1, s22;
	[sflag:s10] =	ssyncset.done $0x0  }
0x50: {  	p0 =	sne.s32 s22, s9;
	[sflag:s10] =	ssyncadd.s32 $0xFFFFE700  }
.Ltmp1:
0x51: {  	[bflag:$0x0] =	sbarrier.arrive $0xFFFF;
	(pc) =	sbr.rel @p0 .LBB2_1-.Ltmp1, $4  }
0x52: {  	[hbm:s8], [sflag:s12] =	dma.local [spmem:s13], $0x13C0  }
0x53: {  	_ =	swait.ge [sflag:s10], $0x13C0  }
0x54: {  	[sflag:s10] =	ssyncset.done $0x0  }
0x55: {  	[sflag:s10] =	ssyncadd.s32 $0xFFFFEC40  }
0x56: {  	_ =	sfence.sel $0x180000  }
0x57: {  	[bflag:$0x0] =	sbarrier.arrive $0xFFFF  }
0x58: {  	p0 =	sne.s32 s1, $0x0;
	_ =	strace $0x9000004D  }
0x59: {  	s0 =	sadd.s32 @!p0 $0x100000, s0;
	[bflag:$0x2] =	sbarrier.arrive $0xFFFF  }
0x5a: {  	[sflag:s0] =	ssyncadd.tile.s32 @!p0 $0x1;
	_ =	shalt  }
.Lfunc_end2:
_tile_overlayer_lowered:
.L_overlay_start_2:
0x5b: {  	(tag) =	ssettag $0x2  }
0x5c: {  	s0 =	rddreg [dreg:$0x0];
	s2 =	stileid.u32  }
0x5d: {  	s1 =	rddreg [dreg:$0x1];
	p0 =	sne.s32 s2, $0x0  }
0x5e: {  	s3 =	rddreg [dreg:$0x2];
	[bflag:$0x3] =	sbarrier.arrive $0xFFFF;
	s2 =	simm.s32 @!p0 $0x1C03  }
0x5f: {  	[timem:s3], [sflag:s2] =	dma.local @!p0 [hbm:s0], s1  }
0x60: {  	s0 =	simm.s32 @!p0 $0x3  }
0x61: {  	_ =	swait.ge @!p0 [sflag:s0], s1  }
0x62: {  	s1 =	ssub.s32 @!p0 $0x0, s1;
	[sflag:s0] =	ssyncset.done @!p0 $0x0  }
0x63: {  	[sflag:s0] =	ssyncadd.s32 @!p0 s1  }
0x64: {  	[bflag:$0x3] =	sbarrier.arrive $0xFFFF  }
0x65: {  	_ =	shalt  }

// kernel: kernel.9.cloned.1.call-start
scs
__scs_entry_jumppad:
0x0: {  	(pc) =	sbr.rel $0x88, $3  }
0x1: {  	(tag) =	ssettag $0x0;
	lr =	simm.s32 $0x1  }
0x2: {  	[smem:$0x3F9B] =	sst lr;
	_ =	strace $0xD0000000  }
0x3: {  	_ = 	snop  }
0x4: {  	_ = 	snop  }
0x5: {  	_ = 	snop  }
0x6: {  	_ = 	snop  }
0x7: {  	_ = 	snop  }
__scs_overlays_trampoline_lowered:
0x8: {  	[smem:$0x3FAA] =	sst s0  }
0x9: {  	[smem:$0x3FAB] =	sst s1  }
0xa: {  	[smem:$0x3FAC] =	sst s2  }
0xb: {  	[smem:$0x3FAD] =	sst s3  }
0xc: {  	[smem:$0x3FAE] =	sst s4  }
0xd: {  	[smem:$0x3FAF] =	sst s5  }
0xe: {  	[smem:$0x3FB0] =	sst s6  }
0xf: {  	[smem:$0x3FB1] =	sst s7  }
0x10: {  	[smem:$0x3FB2] =	sst s8  }
0x11: {  	[smem:$0x3FB3] =	sst s9;
	s0 =	simm.s32 @!p0 $0x0  }
0x12: {  	s1 =	sld [smem:$0x3F99];
	s0 =	simm.s32 @p0 $0x1  }
0x13: {  	[smem:$0x3FB4] =	sst s0;
	s0 =	simm.s32 @!p1 $0x0  }
0x14: {  	s2 =	sld [smem:$0x3F98];
	s0 =	simm.s32 @p1 $0x1  }
0x15: {  	[smem:$0x3FB5] =	sst s0;
	s0 =	simm.s32 @!p2 $0x0  }
0x16: {  	s3 =	sld [smem:$0x3FDB];
	s0 =	simm.s32 @p2 $0x1  }
0x17: {  	s4 =	simm.s32 $0x1BF5;
	[smem:$0x3FB7] =	sst s0  }
0x18: {  	s0 =	sld [smem:$0x3F9A];
	_ =	swait.ge [sflag:s4], $0x0  }
0x19: {  	s7 =	sld [smem:$0x3F9B]  }
0x1a: {  	s8 =	sadd.s32 $0xFFFFE003, lr  }
0x1b: {  	s9 =	sadd.s32 $0xFFFFFEF7, lr;
	s5 =	simm.s32 $0xFFFFFFFF;
	p2 =	slt.u32 s8, $0xFFFFF086  }
0x1c: {  	p1 =	slt.u32 s9, $0xF7A;
	s5 =	simm.s32 @!p2 $0x0  }
0x1d: {  	s5 =	simm.s32 @p1 $0x1;
	p0 =	seq.s32 s7, s2  }
0x1e: {  	s7 =	smul.u32 @!p0 $0xF7A, s2;
	p2 =	seq.s32 @!p0 s5, $0x0  }
0x1f: {  	s9 =	smul.u32 $0xF7A, s1;
	s8 =	simm.s32 @!p0 $0x1BF5;
	p2 =	por !p2, p0  }
0x20: {  	[sflag:s8] =	ssyncset.s32 @!p0 $0xFFFFF086;
	s6 =	sadd.s32 @!p0 s3, s7;
	s7 =	simm.s32 @!p0 $0x108  }
0x21: {  	s3 =	sadd.s32 s3, s9;
	s6 =	sadd.s32 @!p0 $0x88, s6;
	s7 =	simm.s32 @p2 $0x1082  }
0x22: {  	[simem:s7], [sflag:s8] =	dma.local @!p0 [hbm:s6], $0xF7A  }
0x23: {  	s9 =	sor.u32 $0xD0000000, s2;
	s6 =	simm.s32 $0x108;
	_ =	swait.ge @!p0 [sflag:s8], $0x0  }
0x24: {  	s3 =	sadd.s32 $0x88, s3;
	s6 =	simm.s32 @!p1 $0x1082;
	[sflag:s4] =	ssyncset.s32 $0xFFFFF086  }
0x25: {  	[simem:s6], [sflag:s4] =	dma.local [hbm:s3], $0xF7A  }
0x26: {  	[smem:$0x3F9B] =	sst s1;
	(tag) =	ssettag s2;
	_ =	strace s9  }
0x27: {  	s1 =	sld [smem:$0x3FAB]  }
0x28: {  	s2 =	sld [smem:$0x3FAC]  }
0x29: {  	s4 =	sld [smem:$0x3FAE]  }
0x2a: {  	p0 =	seq.s32 s5, $0x0;
	s5 =	sld [smem:$0x3FAF]  }
0x2b: {  	s6 =	sld [smem:$0x3FB0]  }
0x2c: {  	s7 =	sld [smem:$0x3FB1]  }
0x2d: {  	s3 =	simm.s32 $0x108;
	s8 =	sld [smem:$0x3FB2]  }
0x2e: {  	s3 =	simm.s32 @!p0 $0x1082;
	s9 =	sld [smem:$0x3FB3]  }
0x2f: {  	lr =	sadd.s32 s0, s3;
	s0 =	sld [smem:$0x3FAA]  }
0x30: {  	s3 =	sld [smem:$0x3FAD]  }
0x31: {  	[smem:$0x3FB6] =	sst s10  }
0x32: {  	s10 =	sld [smem:$0x3FB4];
	_ =	sdelay $0x3  }
0x33: {  	p0 =	seq.s32 s10, $0x1;
	s10 =	sld [smem:$0x3FB6];
	_ =	sdelay $0x3  }
0x34: {  	[smem:$0x3FB6] =	sst s10  }
0x35: {  	s10 =	sld [smem:$0x3FB5];
	_ =	sdelay $0x3  }
0x36: {  	p1 =	seq.s32 s10, $0x1;
	s10 =	sld [smem:$0x3FB6];
	_ =	sdelay $0x3  }
0x37: {  	[smem:$0x3FB6] =	sst s10  }
0x38: {  	s10 =	sld [smem:$0x3FB7]  }
0x39: {  	_ = 	snop;
	(pc) =	sbr.ind lr, $3  }
0x3a: {  	_ = 	snop  }
0x3b: {  	_ = 	snop  }
0x3c: {  	p2 =	seq.s32 s10, $0x1;
	s10 =	sld [smem:$0x3FB6]  }
0x3d: {  	_ =	shalt  }
0x3e: {  	_ =	shalt  }
0x3f: {  	_ =	shalt  }
0x40: {  	_ =	shalt  }
0x41: {  	_ =	shalt  }
0x42: {  	_ =	shalt  }
0x43: {  	_ =	shalt  }
0x44: {  	_ =	shalt  }
0x45: {  	_ =	shalt  }
0x46: {  	_ =	shalt  }
0x47: {  	_ =	shalt  }
0x48: {  	_ =	shalt  }
0x49: {  	_ =	shalt  }
0x4a: {  	_ =	shalt  }
0x4b: {  	_ =	shalt  }
0x4c: {  	_ =	shalt  }
0x4d: {  	_ =	shalt  }
0x4e: {  	_ =	shalt  }
0x4f: {  	_ =	shalt  }
0x50: {  	_ =	shalt  }
0x51: {  	_ =	shalt  }
0x52: {  	_ =	shalt  }
0x53: {  	_ =	shalt  }
0x54: {  	_ =	shalt  }
0x55: {  	_ =	shalt  }
0x56: {  	_ =	shalt  }
0x57: {  	_ =	shalt  }
0x58: {  	_ =	shalt  }
0x59: {  	_ =	shalt  }
0x5a: {  	_ =	shalt  }
0x5b: {  	_ =	shalt  }
0x5c: {  	_ =	shalt  }
0x5d: {  	_ =	shalt  }
0x5e: {  	_ =	shalt  }
0x5f: {  	_ =	shalt  }
0x60: {  	_ =	shalt  }
0x61: {  	_ =	shalt  }
0x62: {  	_ =	shalt  }
0x63: {  	_ =	shalt  }
0x64: {  	_ =	shalt  }
0x65: {  	_ =	shalt  }
0x66: {  	_ =	shalt  }
0x67: {  	_ =	shalt  }
0x68: {  	_ =	shalt  }
0x69: {  	_ =	shalt  }
0x6a: {  	_ =	shalt  }
0x6b: {  	_ =	shalt  }
0x6c: {  	_ =	shalt  }
0x6d: {  	_ =	shalt  }
0x6e: {  	_ =	shalt  }
0x6f: {  	_ =	shalt  }
0x70: {  	_ =	shalt  }
0x71: {  	_ =	shalt  }
0x72: {  	_ =	shalt  }
0x73: {  	_ =	shalt  }
0x74: {  	_ =	shalt  }
0x75: {  	_ =	shalt  }
0x76: {  	_ =	shalt  }
0x77: {  	_ =	shalt  }
0x78: {  	_ =	shalt  }
0x79: {  	_ =	shalt  }
0x7a: {  	_ =	shalt  }
0x7b: {  	_ =	shalt  }
0x7c: {  	_ =	shalt  }
0x7d: {  	_ =	shalt  }
0x7e: {  	_ =	shalt  }
0x7f: {  	_ =	shalt  }
0x80: {  	_ =	shalt  }
0x81: {  	_ =	shalt  }
0x82: {  	_ =	shalt  }
0x83: {  	_ =	shalt  }
0x84: {  	_ =	shalt  }
0x85: {  	_ =	shalt  }
0x86: {  	_ =	shalt  }
0x87: {  	_ =	shalt  }
.Lfunc_end0:
.L_simem_size_0:
called_computation_lowered:
.L_overlay_start_0:
0x88: {  	s2 =	sld [smem:$0x3FD9]  }
0x89: {  	s3 =	sld [smem:$0x3FFE];
	_ =	sdelay $0x1  }
0x8a: {  	s1 =	srdreg.scid  }
0x8b: {  	s0 =	sand.u32 $0x1, s1  }
0x8c: {  	s17 =	sshll.u32 s0, $0xA;
	s2 =	sadd.s32 s3, s2  }
0x8d: {  	s2 =	sadd.s32 s2, s17  }
0x8e: {  	[smem:$0x3FC2] =	sst s2  }
0x8f: {  	_ = 	snop  }
0x90: {  	s2 =	sld [smem:$0x3FD0];
	(tm) =	ssettm $0x1  }
0x91: {  	s18 =	sld [smem:$0x3FFB];
	_ =	sdelay $0x3  }
0x92: {  	_ =	strace s18  }
0x93: {  	s3 =	sld [smem:$0x3FFC];
	_ =	sdelay $0x3  }
0x94: {  	_ =	strace s3  }
0x95: {  	s3 =	sld [smem:$0x3FFD];
	_ =	sdelay $0x3  }
0x96: {  	_ =	strace s3  }
0x97: {  	_ =	strace $0x8FFFFFFF  }
0x98: {  	s19 =	sld [smem:$0x3FDB];
	_ =	sdelay $0x1  }
0x99: {  	s4 =	simm.s32 $_scs_section_size  }
0x9a: {  	s5 =	simm.s32 $_size__tile_overlayer_lowered;
	s6 =	simm.s32 $_tile_overlayer_lowered  }
0x9b: {  	s22 =	simm.s32 $0x1BFF;
	s21 =	sshll.u32 s6, $0x1;
	s3 =	sadd.s32 s4, s19  }
0x9c: {  	s7 =	simm.s32 $0x0;
	s20 =	sshll.u32 s5, $0x1;
	s5 =	sadd.s32 s21, s3  }
0x9d: {  	[timem:s7], [sflag:s22] =	dma.local [hbm:s5], s20  }
0x9e: {  	_ =	swait.ge [sflag:s22], s20  }
0x9f: {  	s4 =	ssub.s32 $0x0, s20;
	[sflag:s22] =	ssyncset.done $0x0  }
0xa0: {  	[sflag:s22] =	ssyncadd.s32 s4;
	_ =	sdelay $0x1  }
0xa1: {  	s23 =	simm.s32 $0x1B8B  }
0xa2: {  	_ =	swait.ge [sflag:s23], $0x1  }
0xa3: {  	[sflag:s23] =	ssyncset.done $0x0  }
0xa4: {  	s25 =	simm.s32 $0x1B8E;
	s24 =	sld [smem:$0x3FFE];
	[sflag:s23] =	ssyncadd.s32 $0xFFFFFFFF  }
0xa5: {  	s26 =	simm.s32 $execute0_lowered;
	[smem:$0x3FD2] =	sst s25  }
0xa6: {  	s5 =	sshll.u32 s26, $0x1;
	_ =	strace $0x80000046;
	[dreg:$0x1] =	wrdreg $0xFFFFFFFF  }
0xa7: {  	s28 =	simm.s32 $_size_execute0_lowered;
	s3 =	sadd.s32 s3, s5;
	[dreg:$0x0] =	wrdreg $0x0  }
0xa8: {  	s5 =	sshll.u32 s28, $0x1;
	[dreg:$0x2] =	wrdreg s3  }
0xa9: {  	[dreg:$0x3] =	wrdreg s5  }
0xaa: {  	[dreg:$0x4] =	wrdreg $0xC0  }
0xab: {  	_ =	task [dreg:s7], $0x5FFFF  }
0xac: {  	[dreg:$0x1] =	wrdreg $0xFFFFFFFF  }
0xad: {  	[dreg:$0x0] =	wrdreg $0x60  }
0xae: {  	[dreg:$0x2] =	wrdreg s24  }
0xaf: {  	[dreg:$0x3] =	wrdreg s2  }
0xb0: {  	[dreg:$0x4] =	wrdreg $0x2EE00  }
0xb1: {  	[dreg:$0x5] =	wrdreg $0x9  }
0xb2: {  	_ =	task.clear_ibuf [dreg:s7], $0x6FFFF;
	_ =	strace $0x90000046  }
0xb3: {  	s29 =	simm.s32 $0x9;
	_ =	strace $0x80000048  }
0xb4: {  	_ =	swait.ge [sflag:s29], $0x1  }
0xb5: {  	[sflag:s29] =	ssyncadd.s32 $0xFFFFFFFF  }
0xb6: {  	_ =	strace $0x90000048  }
0xb7: {  	_ =	sfence  }
0xb8: {  	s30 =	sld [smem:$0x0];
	_ =	sdelay $0x2  }
0xb9: {  	s31 =	sshll.u32 s1, $0xD;
	s1 =	sshrl.u32 s1, $0x2  }
0xba: {  	s3 =	sand.u32 $0x4000, s31;
	s1 =	sadd.s32 s1, s30  }
0xbb: {  	s0 =	sor.u32 s3, s0;
	s1 =	sshll.u32 s1, $0x11  }
0xbc: {  	s0 =	sor.u32 s1, s0  }
0xbd: {  	s0 =	sadd.s32 $0x8F2B, s0  }
0xbe: {  	[sflag:s0] =	ssyncadd.remote.s32 $0x1  }
0xbf: {  	_ =	sfence.sel $0xFFFF  }
0xc0: {  	[dreg:$0x0] =	wrdreg $0xFFFFFFFF;
	(pc) =	sbr.abs _section_cstart, $3  }
0xc1: {  	[dreg:$0x1] =	wrdreg $0xFFFFFFFF  }
0xc2: {  	_ =	task.clear_ibuf [dreg:s7], $0x2FFFF;
	_ =	strace $0x9FFFFFFF  }
0xc3: {  	(tm) =	ssettm $0x7FFFFFFF  }
tec
execute0_lowered:
.L_overlay_start_1:
0x0: {  	(tag) =	ssettag $0x1  }
0x1: {  	s5 =	rddreg [dreg:$0x0]  }
0x2: {  	s0 =	srdreg.scid;
	s7 =	rddreg [dreg:$0x1]  }
0x3: {  	s2 =	rddreg [dreg:$0x2];
	s3 =	simm.s32 $0x0;
	s13 =	simm.s32 $0x64  }
0x4: {  	s14 =	simm.s32 $0x0;
	s4 =	sand.u32 $0x1, s0;
	s0 =	stileid.u32  }
0x5: {  	[smem:$0x7FF] =	sst s3;
	s1 =	sshll.u32 s4, $0x4;
	s8 =	smul.u32 $0x2780, s0  }
0x6: {  	s10 =	ssub.s32 $0x2, s4;
	s11 =	smul.u32 $0x27800, s4;
	s4 =	sadd.s32 $0x10E00, s5  }
0x7: {  	s31 =	sshll.u32 s0, $0x6;
	s6 =	sor.u32 s0, s1;
	s1 =	rddreg [dreg:$0x3]  }
0x8: {  	_ =	strace $0x80000047;
	s29 =	sshrl.u32 s10, $0x1;
	s6 =	smul.u32 $0x514, s6  }
0x9: {  	s9 =	sshrl.u32 s8, $0x3;
	s10 =	ssub.s32 s10, s29;
	s11 =	sadd.s32 s8, s11  }
0xa: {  	s12 =	sadd.s32 s8, s2;
	s9 =	sadd.s32 s9, s5;
	s30 =	sshrl.u32 s11, $0x3  }
0xb: {  	s8 =	smax.u32 s10, $0x1;
	s10 =	simm.s32 $0x28A0;
	s11 =	sor.u32 $0x1C01, s31  }
0xc: {  	s12 =	sshrl.u32 s12, $0x3;
	s6 =	sadd.s32 s6, s5;
	s7 =	sadd.s32 s7, s30  }
0xd: {  	s5 =	sadd.s32 $0x1A00, s6;
	s6 =	sadd.s32 $0xBE00, s9;
	s9 =	simm.s32 $0x1  }
.LBB2_1:
0xe: {  	[tilespmem:s3], [sflag:$0x1] =	stream.linear.gather [hbm4b:s5+s3], $0x28A0, $0x38;
	[tilespmem:$0x5660] =	vst v63  }
0xf: {  	_ =	swait.ge [sflag:s9], $0x28A0  }
0x10: {  	[sflag:s9] =	ssyncset.done $0x0  }
0x11: {  	[sflag:s9] =	ssyncadd.s32 $0xFFFFD760  }
0x12: {  	[tilespmem:s10], [sflag:$0x1] =	stream.linear.gather [hbm4b:s4+s3], $0x640, $0x38;
	[tilespmem:$0x5660] =	vst v63  }
0x13: {  	_ =	swait.ge [sflag:s9], $0x640  }
0x14: {  	[sflag:s9] =	ssyncset.done $0x0  }
0x15: {  	[sflag:s9] =	ssyncadd.s32 $0xFFFFF9C0  }
0x16: {  	[spmem:s12], [sflag:s11] =	dma.local [hbm:s6], $0x4F0  }
0x17: {  	_ =	swait.ge [sflag:s9], $0x4F0  }
0x18: {  	[sflag:s9] =	ssyncset.done $0x0  }
0x19: {  	[sflag:s9] =	ssyncadd.s32 $0xFFFFFB10  }
0x1a: {  	s15 =	simm.s32 $0x0;
	[bflag:$0x0] =	sbarrier.arrive $0xFFFF  }
0x1b: {  	[spmem:s2] =	stream.indirect.scatter.add.f32 [tilespmem:s10], [sflag:$0x1], $0x10, s15, s13, $0xb8;
	[tilespmem:$0x5660] =	vst v63  }
0x1c: {  	_ =	swait.ge [sflag:s9], $0x640  }
0x1d: {  	[sflag:s9] =	ssyncset.done $0x0  }
0x1e: {  	s22 =	simm.s32 $0x68;
	[sflag:s9] =	ssyncadd.s32 $0xFFFFF9C0  }
0x1f: {  	[spmem:s2] =	stream.indirect.scatter.add.f32 [tilespmem:s10], [sflag:$0x1], $0x10, s22, s13, $0xb8;
	[tilespmem:$0x5660] =	vst v63  }
0x20: {  	_ =	swait.ge [sflag:s9], $0x640  }
0x21: {  	[sflag:s9] =	ssyncset.done $0x0  }
0x22: {  	s23 =	simm.s32 $0xD0;
	[sflag:s9] =	ssyncadd.s32 $0xFFFFF9C0  }
0x23: {  	[spmem:s2] =	stream.indirect.scatter.add.f32 [tilespmem:s10], [sflag:$0x1], $0x10, s23, s13, $0xb8;
	[tilespmem:$0x5660] =	vst v63  }
0x24: {  	_ =	swait.ge [sflag:s9], $0x640  }
0x25: {  	[sflag:s9] =	ssyncset.done $0x0  }
0x26: {  	s24 =	simm.s32 $0x138;
	[sflag:s9] =	ssyncadd.s32 $0xFFFFF9C0  }
0x27: {  	[spmem:s2] =	stream.indirect.scatter.add.f32 [tilespmem:s10], [sflag:$0x1], $0x10, s24, s13, $0xb8;
	[tilespmem:$0x5660] =	vst v63  }
0x28: {  	_ =	swait.ge [sflag:s9], $0x640  }
0x29: {  	[sflag:s9] =	ssyncset.done $0x0  }
0x2a: {  	s25 =	simm.s32 $0x1A0;
	[sflag:s9] =	ssyncadd.s32 $0xFFFFF9C0  }
0x2b: {  	[spmem:s2] =	stream.indirect.scatter.add.f32 [tilespmem:s10], [sflag:$0x1], $0x10, s25, s13, $0xb8;
	[tilespmem:$0x5660] =	vst v63  }
0x2c: {  	_ =	swait.ge [sflag:s9], $0x640  }
0x2d: {  	[sflag:s9] =	ssyncset.done $0x0  }
0x2e: {  	s26 =	simm.s32 $0x208;
	[sflag:s9] =	ssyncadd.s32 $0xFFFFF9C0  }
0x2f: {  	[spmem:s2] =	stream.indirect.scatter.add.f32 [tilespmem:s10], [sflag:$0x1], $0x10, s26, s13, $0xb8;
	[tilespmem:$0x5660] =	vst v63  }
0x30: {  	_ =	swait.ge [sflag:s9], $0x640  }
0x31: {  	[sflag:s9] =	ssyncset.done $0x0  }
0x32: {  	s28 =	simm.s32 $0x270;
	[sflag:s9] =	ssyncadd.s32 $0xFFFFF9C0  }
0x33: {  	[spmem:s2] =	stream.indirect.scatter.add.f32 [tilespmem:s10], [sflag:$0x1], $0x10, s28, s13, $0xb8;
	[tilespmem:$0x5660] =	vst v63  }
0x34: {  	_ =	swait.ge [sflag:s9], $0x640  }
0x35: {  	[sflag:s9] =	ssyncset.done $0x0  }
0x36: {  	s29 =	simm.s32 $0x2D8;
	[sflag:s9] =	ssyncadd.s32 $0xFFFFF9C0  }
0x37: {  	[spmem:s2] =	stream.indirect.scatter.add.f32 [tilespmem:s10], [sflag:$0x1], $0x10, s29, s13, $0xb8;
	[tilespmem:$0x5660] =	vst v63  }
0x38: {  	_ =	swait.ge [sflag:s9], $0x640  }
0x39: {  	[sflag:s9] =	ssyncset.done $0x0  }
0x3a: {  	s30 =	simm.s32 $0x340;
	[sflag:s9] =	ssyncadd.s32 $0xFFFFF9C0  }
0x3b: {  	[spmem:s2] =	stream.indirect.scatter.add.f32 [tilespmem:s10], [sflag:$0x1], $0x10, s30, s13, $0xb8;
	[tilespmem:$0x5660] =	vst v63  }
0x3c: {  	_ =	swait.ge [sflag:s9], $0x640  }
0x3d: {  	[sflag:s9] =	ssyncset.done $0x0  }
0x3e: {  	s31 =	simm.s32 $0x3A8;
	[sflag:s9] =	ssyncadd.s32 $0xFFFFF9C0  }
0x3f: {  	[spmem:s2] =	stream.indirect.scatter.add.f32 [tilespmem:s10], [sflag:$0x1], $0x10, s31, s13, $0xb8;
	[tilespmem:$0x5660] =	vst v63  }
0x40: {  	_ =	swait.ge [sflag:s9], $0x640  }
0x41: {  	s18 =	simm.s32 $0x2080;
	s15 =	simm.s32 $0x1040;
	[sflag:s9] =	ssyncset.done $0x0  }
.LBB2_2:
0x42: {  	s17 =	sshra.s32 s15, $0x2  }
0x43: {  	[sflag:s9] =	ssyncadd.s32 $0xFFFFF9C0;
	s15 =	smov.u32 s18;
	s16 =	sadd.s32 $0x1040, s18  }
0x44: {  	[spmem:s2] =	stream.indirect.scatter.add.f32 [tilespmem:s10], [sflag:$0x1], $0x10, s17, s13, $0xb8;
	[tilespmem:$0x5660] =	vst v63  }
0x45: {  	p0 =	sne.s32 s18, $0x9240;
	_ =	swait.ge [sflag:s9], $0x640  }
0x46: {  	[sflag:s9] =	ssyncset.done $0x0  }
0x47: {  	s18 =	sadd.s32 $0x68, s17;
	[sflag:s9] =	ssyncadd.s32 $0xFFFFF9C0  }
0x48: {  	[spmem:s2] =	stream.indirect.scatter.add.f32 [tilespmem:s10], [sflag:$0x1], $0x10, s18, s13, $0xb8;
	[tilespmem:$0x5660] =	vst v63  }
0x49: {  	_ =	swait.ge [sflag:s9], $0x640  }
0x4a: {  	[sflag:s9] =	ssyncset.done $0x0  }
0x4b: {  	s18 =	sadd.s32 $0xD0, s17;
	[sflag:s9] =	ssyncadd.s32 $0xFFFFF9C0  }
0x4c: {  	[spmem:s2] =	stream.indirect.scatter.add.f32 [tilespmem:s10], [sflag:$0x1], $0x10, s18, s13, $0xb8;
	[tilespmem:$0x5660] =	vst v63  }
0x4d: {  	_ =	swait.ge [sflag:s9], $0x640  }
0x4e: {  	[sflag:s9] =	ssyncset.done $0x0  }
0x4f: {  	s18 =	sadd.s32 $0x138, s17;
	[sflag:s9] =	ssyncadd.s32 $0xFFFFF9C0  }
0x50: {  	[spmem:s2] =	stream.indirect.scatter.add.f32 [tilespmem:s10], [sflag:$0x1], $0x10, s18, s13, $0xb8;
	[tilespmem:$0x5660] =	vst v63  }
0x51: {  	_ =	swait.ge [sflag:s9], $0x640  }
0x52: {  	[sflag:s9] =	ssyncset.done $0x0  }
0x53: {  	s18 =	sadd.s32 $0x1A0, s17;
	[sflag:s9] =	ssyncadd.s32 $0xFFFFF9C0  }
0x54: {  	[spmem:s2] =	stream.indirect.scatter.add.f32 [tilespmem:s10], [sflag:$0x1], $0x10, s18, s13, $0xb8;
	[tilespmem:$0x5660] =	vst v63  }
0x55: {  	_ =	swait.ge [sflag:s9], $0x640  }
0x56: {  	[sflag:s9] =	ssyncset.done $0x0  }
0x57: {  	s18 =	sadd.s32 $0x208, s17;
	[sflag:s9] =	ssyncadd.s32 $0xFFFFF9C0  }
0x58: {  	[spmem:s2] =	stream.indirect.scatter.add.f32 [tilespmem:s10], [sflag:$0x1], $0x10, s18, s13, $0xb8;
	[tilespmem:$0x5660] =	vst v63  }
0x59: {  	_ =	swait.ge [sflag:s9], $0x640  }
0x5a: {  	[sflag:s9] =	ssyncset.done $0x0  }
0x5b: {  	s18 =	sadd.s32 $0x270, s17;
	[sflag:s9] =	ssyncadd.s32 $0xFFFFF9C0  }
0x5c: {  	[spmem:s2] =	stream.indirect.scatter.add.f32 [tilespmem:s10], [sflag:$0x1], $0x10, s18, s13, $0xb8;
	[tilespmem:$0x5660] =	vst v63  }
0x5d: {  	_ =	swait.ge [sflag:s9], $0x640  }
0x5e: {  	[sflag:s9] =	ssyncset.done $0x0  }
0x5f: {  	s18 =	sadd.s32 $0x2D8, s17;
	[sflag:s9] =	ssyncadd.s32 $0xFFFFF9C0  }
0x60: {  	[spmem:s2] =	stream.indirect.scatter.add.f32 [tilespmem:s10], [sflag:$0x1], $0x10, s18, s13, $0xb8;
	[tilespmem:$0x5660] =	vst v63  }
0x61: {  	_ =	swait.ge [sflag:s9], $0x640  }
0x62: {  	[sflag:s9] =	ssyncset.done $0x0  }
0x63: {  	s18 =	sadd.s32 $0x340, s17;
	[sflag:s9] =	ssyncadd.s32 $0xFFFFF9C0  }
0x64: {  	[spmem:s2] =	stream.indirect.scatter.add.f32 [tilespmem:s10], [sflag:$0x1], $0x10, s18, s13, $0xb8;
	[tilespmem:$0x5660] =	vst v63  }
0x65: {  	_ =	swait.ge [sflag:s9], $0x640  }
.Ltmp0:
0x66: {  	[sflag:s9] =	ssyncset.done $0x0;
	(pc) =	sbr.rel @p0 .LBB2_2-.Ltmp0, $4  }
0x67: {  	s17 =	sadd.s32 $0x3A8, s17;
	[sflag:s9] =	ssyncadd.s32 $0xFFFFF9C0  }
0x68: {  	[spmem:s2] =	stream.indirect.scatter.add.f32 [tilespmem:s10], [sflag:$0x1], $0x10, s17, s13, $0xb8;
	[tilespmem:$0x5660] =	vst v63  }
0x69: {  	_ =	swait.ge [sflag:s9], $0x640  }
0x6a: {  	s18 =	smov.u32 s16;
	[sflag:s9] =	ssyncset.done $0x0  }
0x6b: {  	s15 =	sshra.s32 s15, $0x2;
	[sflag:s9] =	ssyncadd.s32 $0xFFFFF9C0  }
0x6c: {  	[spmem:s2] =	stream.indirect.scatter.add.f32 [tilespmem:s10], [sflag:$0x1], $0x10, s15, s13, $0xb8;
	[tilespmem:$0x5660] =	vst v63  }
0x6d: {  	_ =	swait.ge [sflag:s9], $0x640  }
0x6e: {  	[sflag:s9] =	ssyncset.done $0x0  }
0x6f: {  	s16 =	sadd.s32 $0x68, s15;
	[sflag:s9] =	ssyncadd.s32 $0xFFFFF9C0  }
0x70: {  	[spmem:s2] =	stream.indirect.scatter.add.f32 [tilespmem:s10], [sflag:$0x1], $0x10, s16, s13, $0xb8;
	[tilespmem:$0x5660] =	vst v63  }
0x71: {  	_ =	swait.ge [sflag:s9], $0x640  }
0x72: {  	[sflag:s9] =	ssyncset.done $0x0  }
0x73: {  	s24 =	sadd.s32 $0xD0, s15;
	[sflag:s9] =	ssyncadd.s32 $0xFFFFF9C0  }
0x74: {  	[spmem:s2] =	stream.indirect.scatter.add.f32 [tilespmem:s10], [sflag:$0x1], $0x10, s24, s13, $0xb8;
	[tilespmem:$0x5660] =	vst v63  }
0x75: {  	_ =	swait.ge [sflag:s9], $0x640  }
0x76: {  	[sflag:s9] =	ssyncset.done $0x0  }
0x77: {  	s25 =	sadd.s32 $0x138, s15;
	[sflag:s9] =	ssyncadd.s32 $0xFFFFF9C0  }
0x78: {  	[spmem:s2] =	stream.indirect.scatter.add.f32 [tilespmem:s10], [sflag:$0x1], $0x10, s25, s13, $0xb8;
	[tilespmem:$0x5660] =	vst v63  }
0x79: {  	_ =	swait.ge [sflag:s9], $0x640  }
0x7a: {  	[sflag:s9] =	ssyncset.done $0x0  }
0x7b: {  	s26 =	sadd.s32 $0x1A0, s15;
	[sflag:s9] =	ssyncadd.s32 $0xFFFFF9C0  }
0x7c: {  	[spmem:s2] =	stream.indirect.scatter.add.f32 [tilespmem:s10], [sflag:$0x1], $0x10, s26, s13, $0xb8;
	[tilespmem:$0x5660] =	vst v63  }
0x7d: {  	_ =	swait.ge [sflag:s9], $0x640  }
0x7e: {  	[sflag:s9] =	ssyncset.done $0x0  }
0x7f: {  	s28 =	sadd.s32 $0x208, s15;
	[sflag:s9] =	ssyncadd.s32 $0xFFFFF9C0  }
0x80: {  	[spmem:s2] =	stream.indirect.scatter.add.f32 [tilespmem:s10], [sflag:$0x1], $0x10, s28, s13, $0xb8;
	[tilespmem:$0x5660] =	vst v63  }
0x81: {  	_ =	swait.ge [sflag:s9], $0x640  }
0x82: {  	[sflag:s9] =	ssyncset.done $0x0  }
0x83: {  	s29 =	sadd.s32 $0x270, s15;
	[sflag:s9] =	ssyncadd.s32 $0xFFFFF9C0  }
0x84: {  	[spmem:s2] =	stream.indirect.scatter.add.f32 [tilespmem:s10], [sflag:$0x1], $0x10, s29, s13, $0xb8;
	[tilespmem:$0x5660] =	vst v63  }
0x85: {  	_ =	swait.ge [sflag:s9], $0x640  }
0x86: {  	[sflag:s9] =	ssyncset.done $0x0  }
0x87: {  	s30 =	sadd.s32 $0x2D8, s15;
	[sflag:s9] =	ssyncadd.s32 $0xFFFFF9C0  }
0x88: {  	[spmem:s2] =	stream.indirect.scatter.add.f32 [tilespmem:s10], [sflag:$0x1], $0x10, s30, s13, $0xb8;
	[tilespmem:$0x5660] =	vst v63  }
0x89: {  	_ =	swait.ge [sflag:s9], $0x640  }
0x8a: {  	[sflag:s9] =	ssyncset.done $0x0  }
0x8b: {  	s31 =	sadd.s32 $0x340, s15;
	[sflag:s9] =	ssyncadd.s32 $0xFFFFF9C0  }
0x8c: {  	[spmem:s2] =	stream.indirect.scatter.add.f32 [tilespmem:s10], [sflag:$0x1], $0x10, s31, s13, $0xb8;
	[tilespmem:$0x5660] =	vst v63  }
0x8d: {  	_ =	swait.ge [sflag:s9], $0x640  }
0x8e: {  	[sflag:s9] =	ssyncset.done $0x0  }
0x8f: {  	s15 =	sadd.s32 $0x3A8, s15;
	[sflag:s9] =	ssyncadd.s32 $0xFFFFF9C0  }
0x90: {  	[spmem:s2] =	stream.indirect.scatter.add.f32 [tilespmem:s10], [sflag:$0x1], $0x10, s15, s13, $0xb8;
	[tilespmem:$0x5660] =	vst v63  }
0x91: {  	_ =	swait.ge [sflag:s9], $0x640  }
0x92: {  	s14 =	sadd.s32 $0x1, s14;
	[sflag:s9] =	ssyncset.done $0x0  }
0x93: {  	p0 =	sne.s32 s14, s8;
	[sflag:s9] =	ssyncadd.s32 $0xFFFFF9C0  }
.Ltmp1:
0x94: {  	[bflag:$0x0] =	sbarrier.arrive $0xFFFF;
	(pc) =	sbr.rel @p0 .LBB2_1-.Ltmp1, $4  }
0x95: {  	[hbm:s7], [sflag:s11] =	dma.local [spmem:s12], $0x4F0  }
0x96: {  	_ =	swait.ge [sflag:s9], $0x4F0  }
0x97: {  	[sflag:s9] =	ssyncset.done $0x0  }
0x98: {  	[sflag:s9] =	ssyncadd.s32 $0xFFFFFB10  }
0x99: {  	_ =	sfence.sel $0x180000  }
0x9a: {  	[bflag:$0x0] =	sbarrier.arrive $0xFFFF  }
0x9b: {  	p0 =	sne.s32 s0, $0x0;
	_ =	strace $0x90000047  }
0x9c: {  	s0 =	sadd.s32 @!p0 $0x100000, s1;
	[bflag:$0x2] =	sbarrier.arrive $0xFFFF  }
0x9d: {  	[sflag:s0] =	ssyncadd.tile.s32 @!p0 $0x1;
	_ =	shalt  }
.Lfunc_end2:
_tile_overlayer_lowered:
.L_overlay_start_2:
0x9e: {  	(tag) =	ssettag $0x2  }
0x9f: {  	s0 =	rddreg [dreg:$0x0];
	s2 =	stileid.u32  }
0xa0: {  	s1 =	rddreg [dreg:$0x1];
	p0 =	sne.s32 s2, $0x0  }
0xa1: {  	s3 =	rddreg [dreg:$0x2];
	[bflag:$0x3] =	sbarrier.arrive $0xFFFF;
	s2 =	simm.s32 @!p0 $0x1C01  }
0xa2: {  	[timem:s3], [sflag:s2] =	dma.local @!p0 [hbm:s0], s1  }
0xa3: {  	s0 =	simm.s32 @!p0 $0x1  }
0xa4: {  	_ =	swait.ge @!p0 [sflag:s0], s1  }
0xa5: {  	s1 =	ssub.s32 @!p0 $0x0, s1;
	[sflag:s0] =	ssyncset.done @!p0 $0x0  }
0xa6: {  	[sflag:s0] =	ssyncadd.s32 @!p0 s1  }
0xa7: {  	[bflag:$0x3] =	sbarrier.arrive $0xFFFF  }
0xa8: {  	_ =	shalt  }

</sc_bundles>
